<compile_context>
chip_gen: v7x
topology: tpu7x:2x2x1
jax: 0.10.2.dev20260603
libtpu: 0.0.44.dev20260713+nightly
codegen_flags: <defaults>
</compile_context>

<pallas_src>
import functools

import jax
import jax.numpy as jnp
from jax import lax
from jax.experimental import pallas as pl
from jax.experimental.pallas import tpu as pltpu
from jax.experimental.pallas import tpu_sc as plsc

NWORDS = 1000000
NTAGS = 1000
EMB = 64
HID = 128
SEQ = 200

LANES = 16
SLAB = 128
NUM_W = 32
BASE_WORDS = 6
EXTRA_FROM = 24
MAX_WORDS = 7


def _gather_sum_sc(tableT, words):
    mesh = plsc.VectorSubcoreMesh(core_axis_name="c", subcore_axis_name="s")

    @functools.partial(
        pl.kernel,
        out_type=jax.ShapeDtypeStruct((NUM_W, EMB), jnp.float32),
        mesh=mesh,
        scratch_types=[
            pltpu.VMEM((LANES,), jnp.int32),
            pltpu.VMEM((MAX_WORDS, EMB, SLAB), jnp.float32),
            pltpu.VMEM((EMB,), jnp.float32),
            pltpu.SemaphoreType.DMA,
        ],
        compiler_params=pltpu.CompilerParams(needs_layout_passes=False),
    )
    def k(table_hbm, idx_hbm, out_hbm, idx_v, slabs_v, acc_v, sem):
        num_cores = lax.axis_size("c")
        wid = lax.axis_index("s") * num_cores + lax.axis_index("c")

        has7 = wid >= EXTRA_FROM
        base = BASE_WORDS * wid + jnp.maximum(wid - EXTRA_FROM, 0)
        clamped = pl.multiple_of(
            jnp.minimum((base >> 3) << 3, SEQ - LANES), 8)
        off = base - clamped
        pltpu.sync_copy(idx_hbm.at[pl.ds(clamped, LANES)], idx_v)
        lanes = []
        for kk in range(MAX_WORDS):
            w = plsc.load_gather(
                idx_v, [jnp.full((LANES,), kk + off, jnp.int32)])[0]
            start = pl.multiple_of((w >> 7) << 7, SLAB)
            if kk < BASE_WORDS:
                pltpu.async_copy(
                    table_hbm.at[:, pl.ds(start, SLAB)], slabs_v.at[kk], sem)
            else:
                @pl.when(has7)
                def _():
                    pltpu.async_copy(
                        table_hbm.at[:, pl.ds(start, SLAB)], slabs_v.at[kk],
                        sem)
            lanes.append(w - start)
        eranges = [lax.iota(jnp.int32, LANES) + d * LANES
                   for d in range(EMB // LANES)]
        accs = [jnp.zeros((LANES,), jnp.float32)
                for _ in range(EMB // LANES)]
        for kk in range(MAX_WORDS):
            if kk < BASE_WORDS:
                pltpu.make_async_copy(
                    table_hbm.at[:, pl.ds(0, SLAB)], slabs_v.at[kk],
                    sem).wait()
            else:
                @pl.when(has7)
                def _():
                    pltpu.make_async_copy(
                        table_hbm.at[:, pl.ds(0, SLAB)], slabs_v.at[kk],
                        sem).wait()
            lane = jnp.full((LANES,), lanes[kk], jnp.int32)
            kidx = jnp.full((LANES,), kk, jnp.int32)
            for d in range(EMB // LANES):
                val = plsc.load_gather(slabs_v, [kidx, eranges[d], lane])
                if kk >= BASE_WORDS:
                    val = jnp.where(has7, val, jnp.zeros_like(val))
                accs[d] = accs[d] + val
        for d in range(EMB // LANES):
            acc_v[pl.ds(d * LANES, LANES)] = accs[d]
        pltpu.sync_copy(acc_v, out_hbm.at[wid])

    return k(tableT, words)


def _mlp_body(p_ref, w0_ref, b0_ref, w1_ref, b1_ref, wo_ref, bo_ref, o_ref):
    cdims = (((1,), (1,)), ((), ()))
    h = jnp.sum(p_ref[...], axis=0, keepdims=True)
    h = jnp.tanh(
        lax.dot_general(h, w0_ref[...], cdims, preferred_element_type=jnp.float32)
        + b0_ref[...])
    h = jnp.tanh(
        lax.dot_general(h, w1_ref[...], cdims, preferred_element_type=jnp.float32)
        + b1_ref[...])
    o_ref[...] = (
        lax.dot_general(h, wo_ref[...], cdims, preferred_element_type=jnp.float32)
        + bo_ref[...])


def _mlp_tc(partials, W0, b0, W1, b1, W_out, b_out):
    return pl.pallas_call(
        _mlp_body,
        out_shape=jax.ShapeDtypeStruct((1, NTAGS), jnp.float32),
    )(partials, W0, b0, W1, b1, W_out, b_out)


def kernel(words, emb_table, W0, b0, W1, b1, W_out, b_out):
    tableT = emb_table.T
    partials = _gather_sum_sc(tableT, words.astype(jnp.int32))
    return _mlp_tc(partials, W0, b0.reshape(1, HID), W1, b1.reshape(1, HID),
                   W_out, b_out.reshape(1, NTAGS))

# --- scband reference (transcript-rebuilt; emitter-appended) ---
"""Pipeline reference for scband-deep-cbo-w-12352325944076 (READ-ONLY COPY).

The authoritative reference and input builder live on the scoring server;
editing this copy changes nothing except your own understanding.
"""

import jax, jax.numpy as jnp
import numpy as np

NWORDS = 1000000
NTAGS = 1000
EMB = 64
HID = 128
SEQ = 200

def setup_inputs(seed: int = 0) -> dict:
    key = jax.random.key(seed)
    ks = jax.random.split(key, 8)
    words = jax.random.randint(ks[0], (SEQ,), 0, NWORDS, dtype=jnp.int64 if jax.config.jax_enable_x64 else jnp.int32)
    # xavier-uniform-ish init for learned params
    def xavier(k, shape):
        fan_in, fan_out = shape[1], shape[0]
        bound = float(np.sqrt(6.0 / (fan_in + fan_out)))
        return jax.random.uniform(k, shape, jnp.float32, -bound, bound)
    emb_table = xavier(ks[1], (NWORDS, EMB))
    W0 = xavier(ks[2], (HID, EMB))
    b0 = jnp.zeros((HID,), jnp.float32)
    W1 = xavier(ks[3], (HID, HID))
    b1 = jnp.zeros((HID,), jnp.float32)
    W_out = xavier(ks[4], (NTAGS, HID))
    b_out = jnp.zeros((NTAGS,), jnp.float32)
    return {"words": words, "emb_table": emb_table, "W0": W0, "b0": b0, "W1": W1, "b1": b1, "W_out": W_out, "b_out": b_out}

def reference(words, emb_table, W0, b0, W1, b1, W_out, b_out):
    emb = jnp.take(emb_table, words, axis=0)        # [SEQ, EMB] gather
    h = jnp.sum(emb, axis=0).reshape(1, -1)          # [1, EMB]
    h = jnp.tanh(h @ W0.T + b0)                      # [1, HID]
    h = jnp.tanh(h @ W1.T + b1)                      # [1, HID]
    out = h @ W_out.T + b_out                        # [1, NTAGS]
    return out

if __name__ == "__main__":
    import jax
    _d = setup_inputs()
    print(jax.jit(kernel)(*tuple(_d.values())))

</pallas_src>

<mosaic_0001>
#map = affine_map<(d0, d1) -> (0, 0)>
#map1 = affine_map<(d0, d1) -> (0)>
module attributes {stable_mosaic.version = 14 : i64} {
  func.func @k(%arg0: i32, %arg1: i32, %arg2: memref<64x1000000xf32, #tpu.memory_space<hbm>>, %arg3: memref<200xi32, #tpu.memory_space<hbm>>, %arg4: memref<32x64xf32, #tpu.memory_space<hbm>>, %arg5: memref<16xi32, #tpu.memory_space<vmem>>, %arg6: memref<7x64x128xf32, #tpu.memory_space<vmem>>, %arg7: memref<64xf32, #tpu.memory_space<vmem>>, %arg8: memref<!tpu.dma_semaphore, #tpu.memory_space<semaphore_mem>>) attributes {dimension_semantics = [#tpu.dimension_semantics<core_parallel>, #tpu.dimension_semantics<subcore_parallel>], iteration_bounds = array<i64: 2, 16>, scalar_prefetch = 0 : i64, scratch_operands = 4 : i64, tpu.core_type = #tpu.core_type<sc_vector_subcore>, window_params = [{transform_indices = #map}, {transform_indices = #map1}, {transform_indices = #map}]} {
    %mul3A = arith.constant 2 : i32
    %mul3A_0 = arith.muli %arg1, %mul3A : i32
    %add3A = arith.addi %mul3A_0, %arg0 : i32
    %ge3A = arith.constant 24 : i32
    %ge3A_1 = arith.cmpi sge, %add3A, %ge3A : i32
    %mul3A_2 = arith.constant 6 : i32
    %mul3A_3 = arith.muli %mul3A_2, %add3A : i32
    %sub3A = arith.constant 24 : i32
    %sub3A_4 = arith.subi %add3A, %sub3A : i32
    %max3A = arith.constant 0 : i32
    %max3A_5 = arith.maxsi %sub3A_4, %max3A : i32
    %add3A_6 = arith.addi %mul3A_3, %max3A_5 : i32
    %shift_right_arithmetic3A = arith.constant 3 : i32
    %shift_right_arithmetic3A_7 = arith.shrsi %add3A_6, %shift_right_arithmetic3A : i32
    %shift_left3A = arith.constant 3 : i32
    %shift_left3A_8 = arith.shli %shift_right_arithmetic3A_7, %shift_left3A : i32
    %min3A = arith.constant 184 : i32
    %min3A_9 = arith.minsi %shift_left3A_8, %min3A : i32
    %multiple_of3A = tpu.assume_multiple %min3A_9, 8 : i32
    %sub3A_10 = arith.subi %add3A_6, %multiple_of3A : i32
    "tpu.region"() ({
      %run_scoped3A = tpu.sem_alloc : memref<!tpu.dma_semaphore, #tpu.memory_space<semaphore_mem>>
      %dma_start3A_379 = tpu.memref_slice %arg3[%multiple_of3A] : memref<200xi32, #tpu.memory_space<hbm>> -> memref<16xi32, #tpu.memory_space<hbm>>
      %dma_start3A_380 = tpu.memref_slice %arg3[%multiple_of3A] : memref<200xi32, #tpu.memory_space<hbm>> -> memref<16xi32, #tpu.memory_space<hbm>>
      tpu.enqueue_dma source(%dma_start3A_380 : memref<16xi32, #tpu.memory_space<hbm>>) target(%arg5 : memref<16xi32, #tpu.memory_space<vmem>>) target_semaphore(%run_scoped3A : memref<!tpu.dma_semaphore, #tpu.memory_space<semaphore_mem>>)
      %dma_wait3A_381 = tpu.memref_slice %arg3[%multiple_of3A] : memref<200xi32, #tpu.memory_space<hbm>> -> memref<16xi32, #tpu.memory_space<hbm>>
      %dma_wait3A_382 = tpu.memref_slice %arg3[%multiple_of3A] : memref<200xi32, #tpu.memory_space<hbm>> -> memref<16xi32, #tpu.memory_space<hbm>>
      tpu.wait_dma2 semaphore(%run_scoped3A : memref<!tpu.dma_semaphore, #tpu.memory_space<semaphore_mem>>) src(%dma_wait3A_382 : memref<16xi32, #tpu.memory_space<hbm>>) dst(%arg5 : memref<16xi32, #tpu.memory_space<vmem>>)
      tpu.yield
    }) : () -> ()
    %add3A_11 = arith.constant 0 : i32
    %add3A_12 = arith.addi %add3A_11, %sub3A_10 : i32
    %broadcast_in_dim3A = vector.broadcast %add3A_12 : i32 to vector<16xi32>
    %gather3A = tpu.vector_load_idx %arg5[%broadcast_in_dim3A] : memref<16xi32, #tpu.memory_space<vmem>>[vector<16xi32>], vector<16xi32>,
    %slice3A = vector.extract_strided_slice %gather3A {offsets = [0], sizes = [1], strides = [1]} : vector<16xi32> to vector<1xi32>
    %squeeze3A = vector.extract %slice3A[0] : i32 from vector<1xi32>
    %shift_right_arithmetic3A_13 = arith.constant 7 : i32
    %shift_right_arithmetic3A_14 = arith.shrsi %squeeze3A, %shift_right_arithmetic3A_13 : i32
    %shift_left3A_15 = arith.constant 7 : i32
    %shift_left3A_16 = arith.shli %shift_right_arithmetic3A_14, %shift_left3A_15 : i32
    %multiple_of3A_17 = tpu.assume_multiple %shift_left3A_16, 128 : i32
    %dma_start3A = arith.constant 0 : i32
    %dma_start3A_18 = arith.constant 0 : i32
    %dma_start3A_19 = arith.constant 0 : i32
    %dma_start3A_20 = tpu.memref_slice %arg6[%dma_start3A, %dma_start3A_18, %dma_start3A_19] : memref<7x64x128xf32, #tpu.memory_space<vmem>> -> memref<1x64x128xf32, #tpu.memory_space<vmem>>
    %dma_start3A_21 = tpu.memref_squeeze %dma_start3A_20 : memref<1x64x128xf32, #tpu.memory_space<vmem>> -> memref<64x128xf32, #tpu.memory_space<vmem>>
    %dma_start3A_22 = arith.constant 0 : i32
    %dma_start3A_23 = tpu.memref_slice %arg2[%dma_start3A_22, %multiple_of3A_17] : memref<64x1000000xf32, #tpu.memory_space<hbm>> -> memref<64x128xf32, #tpu.memory_space<hbm>>
    %dma_start3A_24 = arith.constant 0 : i32
    %dma_start3A_25 = arith.constant 0 : i32
    %dma_start3A_26 = tpu.memref_slice %arg6[%dma_start3A, %dma_start3A_24, %dma_start3A_25] : memref<7x64x128xf32, #tpu.memory_space<vmem>> -> memref<1x64x128xf32, #tpu.memory_space<vmem>>
    %dma_start3A_27 = tpu.memref_squeeze %dma_start3A_26 : memref<1x64x128xf32, #tpu.memory_space<vmem>> -> memref<64x128xf32, #tpu.memory_space<vmem>>
    %dma_start3A_28 = arith.constant 0 : i32
    %dma_start3A_29 = tpu.memref_slice %arg2[%dma_start3A_28, %multiple_of3A_17] : memref<64x1000000xf32, #tpu.memory_space<hbm>> -> memref<64x128xf32, #tpu.memory_space<hbm>>
    tpu.enqueue_dma source(%dma_start3A_29 : memref<64x128xf32, #tpu.memory_space<hbm>>) target(%dma_start3A_27 : memref<64x128xf32, #tpu.memory_space<vmem>>) target_semaphore(%arg8 : memref<!tpu.dma_semaphore, #tpu.memory_space<semaphore_mem>>)
    %sub3A_30 = arith.subi %squeeze3A, %multiple_of3A_17 : i32
    %add3A_31 = arith.constant 1 : i32
    %add3A_32 = arith.addi %add3A_31, %sub3A_10 : i32
    %broadcast_in_dim3A_33 = vector.broadcast %add3A_32 : i32 to vector<16xi32>
    %gather3A_34 = tpu.vector_load_idx %arg5[%broadcast_in_dim3A_33] : memref<16xi32, #tpu.memory_space<vmem>>[vector<16xi32>], vector<16xi32>,
    %slice3A_35 = vector.extract_strided_slice %gather3A_34 {offsets = [0], sizes = [1], strides = [1]} : vector<16xi32> to vector<1xi32>
    %squeeze3A_36 = vector.extract %slice3A_35[0] : i32 from vector<1xi32>
    %shift_right_arithmetic3A_37 = arith.constant 7 : i32
    %shift_right_arithmetic3A_38 = arith.shrsi %squeeze3A_36, %shift_right_arithmetic3A_37 : i32
    %shift_left3A_39 = arith.constant 7 : i32
    %shift_left3A_40 = arith.shli %shift_right_arithmetic3A_38, %shift_left3A_39 : i32
    %multiple_of3A_41 = tpu.assume_multiple %shift_left3A_40, 128 : i32
    %dma_start3A_42 = arith.constant 1 : i32
    %dma_start3A_43 = arith.constant 0 : i32
    %dma_start3A_44 = arith.constant 0 : i32
    %dma_start3A_45 = tpu.memref_slice %arg6[%dma_start3A_42, %dma_start3A_43, %dma_start3A_44] : memref<7x64x128xf32, #tpu.memory_space<vmem>> -> memref<1x64x128xf32, #tpu.memory_space<vmem>>
    %dma_start3A_46 = tpu.memref_squeeze %dma_start3A_45 : memref<1x64x128xf32, #tpu.memory_space<vmem>> -> memref<64x128xf32, #tpu.memory_space<vmem>>
    %dma_start3A_47 = arith.constant 0 : i32
    %dma_start3A_48 = tpu.memref_slice %arg2[%dma_start3A_47, %multiple_of3A_41] : memref<64x1000000xf32, #tpu.memory_space<hbm>> -> memref<64x128xf32, #tpu.memory_space<hbm>>
    %dma_start3A_49 = arith.constant 0 : i32
    %dma_start3A_50 = arith.constant 0 : i32
    %dma_start3A_51 = tpu.memref_slice %arg6[%dma_start3A_42, %dma_start3A_49, %dma_start3A_50] : memref<7x64x128xf32, #tpu.memory_space<vmem>> -> memref<1x64x128xf32, #tpu.memory_space<vmem>>
    %dma_start3A_52 = tpu.memref_squeeze %dma_start3A_51 : memref<1x64x128xf32, #tpu.memory_space<vmem>> -> memref<64x128xf32, #tpu.memory_space<vmem>>
    %dma_start3A_53 = arith.constant 0 : i32
    %dma_start3A_54 = tpu.memref_slice %arg2[%dma_start3A_53, %multiple_of3A_41] : memref<64x1000000xf32, #tpu.memory_space<hbm>> -> memref<64x128xf32, #tpu.memory_space<hbm>>
    tpu.enqueue_dma source(%dma_start3A_54 : memref<64x128xf32, #tpu.memory_space<hbm>>) target(%dma_start3A_52 : memref<64x128xf32, #tpu.memory_space<vmem>>) target_semaphore(%arg8 : memref<!tpu.dma_semaphore, #tpu.memory_space<semaphore_mem>>)
    %sub3A_55 = arith.subi %squeeze3A_36, %multiple_of3A_41 : i32
    %add3A_56 = arith.constant 2 : i32
    %add3A_57 = arith.addi %add3A_56, %sub3A_10 : i32
    %broadcast_in_dim3A_58 = vector.broadcast %add3A_57 : i32 to vector<16xi32>
    %gather3A_59 = tpu.vector_load_idx %arg5[%broadcast_in_dim3A_58] : memref<16xi32, #tpu.memory_space<vmem>>[vector<16xi32>], vector<16xi32>,
    %slice3A_60 = vector.extract_strided_slice %gather3A_59 {offsets = [0], sizes = [1], strides = [1]} : vector<16xi32> to vector<1xi32>
    %squeeze3A_61 = vector.extract %slice3A_60[0] : i32 from vector<1xi32>
    %shift_right_arithmetic3A_62 = arith.constant 7 : i32
    %shift_right_arithmetic3A_63 = arith.shrsi %squeeze3A_61, %shift_right_arithmetic3A_62 : i32
    %shift_left3A_64 = arith.constant 7 : i32
    %shift_left3A_65 = arith.shli %shift_right_arithmetic3A_63, %shift_left3A_64 : i32
    %multiple_of3A_66 = tpu.assume_multiple %shift_left3A_65, 128 : i32
    %dma_start3A_67 = arith.constant 2 : i32
    %dma_start3A_68 = arith.constant 0 : i32
    %dma_start3A_69 = arith.constant 0 : i32
    %dma_start3A_70 = tpu.memref_slice %arg6[%dma_start3A_67, %dma_start3A_68, %dma_start3A_69] : memref<7x64x128xf32, #tpu.memory_space<vmem>> -> memref<1x64x128xf32, #tpu.memory_space<vmem>>
    %dma_start3A_71 = tpu.memref_squeeze %dma_start3A_70 : memref<1x64x128xf32, #tpu.memory_space<vmem>> -> memref<64x128xf32, #tpu.memory_space<vmem>>
    %dma_start3A_72 = arith.constant 0 : i32
    %dma_start3A_73 = tpu.memref_slice %arg2[%dma_start3A_72, %multiple_of3A_66] : memref<64x1000000xf32, #tpu.memory_space<hbm>> -> memref<64x128xf32, #tpu.memory_space<hbm>>
    %dma_start3A_74 = arith.constant 0 : i32
    %dma_start3A_75 = arith.constant 0 : i32
    %dma_start3A_76 = tpu.memref_slice %arg6[%dma_start3A_67, %dma_start3A_74, %dma_start3A_75] : memref<7x64x128xf32, #tpu.memory_space<vmem>> -> memref<1x64x128xf32, #tpu.memory_space<vmem>>
    %dma_start3A_77 = tpu.memref_squeeze %dma_start3A_76 : memref<1x64x128xf32, #tpu.memory_space<vmem>> -> memref<64x128xf32, #tpu.memory_space<vmem>>
    %dma_start3A_78 = arith.constant 0 : i32
    %dma_start3A_79 = tpu.memref_slice %arg2[%dma_start3A_78, %multiple_of3A_66] : memref<64x1000000xf32, #tpu.memory_space<hbm>> -> memref<64x128xf32, #tpu.memory_space<hbm>>
    tpu.enqueue_dma source(%dma_start3A_79 : memref<64x128xf32, #tpu.memory_space<hbm>>) target(%dma_start3A_77 : memref<64x128xf32, #tpu.memory_space<vmem>>) target_semaphore(%arg8 : memref<!tpu.dma_semaphore, #tpu.memory_space<semaphore_mem>>)
    %sub3A_80 = arith.subi %squeeze3A_61, %multiple_of3A_66 : i32
    %add3A_81 = arith.constant 3 : i32
    %add3A_82 = arith.addi %add3A_81, %sub3A_10 : i32
    %broadcast_in_dim3A_83 = vector.broadcast %add3A_82 : i32 to vector<16xi32>
    %gather3A_84 = tpu.vector_load_idx %arg5[%broadcast_in_dim3A_83] : memref<16xi32, #tpu.memory_space<vmem>>[vector<16xi32>], vector<16xi32>,
    %slice3A_85 = vector.extract_strided_slice %gather3A_84 {offsets = [0], sizes = [1], strides = [1]} : vector<16xi32> to vector<1xi32>
    %squeeze3A_86 = vector.extract %slice3A_85[0] : i32 from vector<1xi32>
    %shift_right_arithmetic3A_87 = arith.constant 7 : i32
    %shift_right_arithmetic3A_88 = arith.shrsi %squeeze3A_86, %shift_right_arithmetic3A_87 : i32
    %shift_left3A_89 = arith.constant 7 : i32
    %shift_left3A_90 = arith.shli %shift_right_arithmetic3A_88, %shift_left3A_89 : i32
    %multiple_of3A_91 = tpu.assume_multiple %shift_left3A_90, 128 : i32
    %dma_start3A_92 = arith.constant 3 : i32
    %dma_start3A_93 = arith.constant 0 : i32
    %dma_start3A_94 = arith.constant 0 : i32
    %dma_start3A_95 = tpu.memref_slice %arg6[%dma_start3A_92, %dma_start3A_93, %dma_start3A_94] : memref<7x64x128xf32, #tpu.memory_space<vmem>> -> memref<1x64x128xf32, #tpu.memory_space<vmem>>
    %dma_start3A_96 = tpu.memref_squeeze %dma_start3A_95 : memref<1x64x128xf32, #tpu.memory_space<vmem>> -> memref<64x128xf32, #tpu.memory_space<vmem>>
    %dma_start3A_97 = arith.constant 0 : i32
    %dma_start3A_98 = tpu.memref_slice %arg2[%dma_start3A_97, %multiple_of3A_91] : memref<64x1000000xf32, #tpu.memory_space<hbm>> -> memref<64x128xf32, #tpu.memory_space<hbm>>
    %dma_start3A_99 = arith.constant 0 : i32
    %dma_start3A_100 = arith.constant 0 : i32
    %dma_start3A_101 = tpu.memref_slice %arg6[%dma_start3A_92, %dma_start3A_99, %dma_start3A_100] : memref<7x64x128xf32, #tpu.memory_space<vmem>> -> memref<1x64x128xf32, #tpu.memory_space<vmem>>
    %dma_start3A_102 = tpu.memref_squeeze %dma_start3A_101 : memref<1x64x128xf32, #tpu.memory_space<vmem>> -> memref<64x128xf32, #tpu.memory_space<vmem>>
    %dma_start3A_103 = arith.constant 0 : i32
    %dma_start3A_104 = tpu.memref_slice %arg2[%dma_start3A_103, %multiple_of3A_91] : memref<64x1000000xf32, #tpu.memory_space<hbm>> -> memref<64x128xf32, #tpu.memory_space<hbm>>
    tpu.enqueue_dma source(%dma_start3A_104 : memref<64x128xf32, #tpu.memory_space<hbm>>) target(%dma_start3A_102 : memref<64x128xf32, #tpu.memory_space<vmem>>) target_semaphore(%arg8 : memref<!tpu.dma_semaphore, #tpu.memory_space<semaphore_mem>>)
    %sub3A_105 = arith.subi %squeeze3A_86, %multiple_of3A_91 : i32
    %add3A_106 = arith.constant 4 : i32
    %add3A_107 = arith.addi %add3A_106, %sub3A_10 : i32
    %broadcast_in_dim3A_108 = vector.broadcast %add3A_107 : i32 to vector<16xi32>
    %gather3A_109 = tpu.vector_load_idx %arg5[%broadcast_in_dim3A_108] : memref<16xi32, #tpu.memory_space<vmem>>[vector<16xi32>], vector<16xi32>,
    %slice3A_110 = vector.extract_strided_slice %gather3A_109 {offsets = [0], sizes = [1], strides = [1]} : vector<16xi32> to vector<1xi32>
    %squeeze3A_111 = vector.extract %slice3A_110[0] : i32 from vector<1xi32>
    %shift_right_arithmetic3A_112 = arith.constant 7 : i32
    %shift_right_arithmetic3A_113 = arith.shrsi %squeeze3A_111, %shift_right_arithmetic3A_112 : i32
    %shift_left3A_114 = arith.constant 7 : i32
    %shift_left3A_115 = arith.shli %shift_right_arithmetic3A_113, %shift_left3A_114 : i32
    %multiple_of3A_116 = tpu.assume_multiple %shift_left3A_115, 128 : i32
    %dma_start3A_117 = arith.constant 4 : i32
    %dma_start3A_118 = arith.constant 0 : i32
    %dma_start3A_119 = arith.constant 0 : i32
    %dma_start3A_120 = tpu.memref_slice %arg6[%dma_start3A_117, %dma_start3A_118, %dma_start3A_119] : memref<7x64x128xf32, #tpu.memory_space<vmem>> -> memref<1x64x128xf32, #tpu.memory_space<vmem>>
    %dma_start3A_121 = tpu.memref_squeeze %dma_start3A_120 : memref<1x64x128xf32, #tpu.memory_space<vmem>> -> memref<64x128xf32, #tpu.memory_space<vmem>>
    %dma_start3A_122 = arith.constant 0 : i32
    %dma_start3A_123 = tpu.memref_slice %arg2[%dma_start3A_122, %multiple_of3A_116] : memref<64x1000000xf32, #tpu.memory_space<hbm>> -> memref<64x128xf32, #tpu.memory_space<hbm>>
    %dma_start3A_124 = arith.constant 0 : i32
    %dma_start3A_125 = arith.constant 0 : i32
    %dma_start3A_126 = tpu.memref_slice %arg6[%dma_start3A_117, %dma_start3A_124, %dma_start3A_125] : memref<7x64x128xf32, #tpu.memory_space<vmem>> -> memref<1x64x128xf32, #tpu.memory_space<vmem>>
    %dma_start3A_127 = tpu.memref_squeeze %dma_start3A_126 : memref<1x64x128xf32, #tpu.memory_space<vmem>> -> memref<64x128xf32, #tpu.memory_space<vmem>>
    %dma_start3A_128 = arith.constant 0 : i32
    %dma_start3A_129 = tpu.memref_slice %arg2[%dma_start3A_128, %multiple_of3A_116] : memref<64x1000000xf32, #tpu.memory_space<hbm>> -> memref<64x128xf32, #tpu.memory_space<hbm>>
    tpu.enqueue_dma source(%dma_start3A_129 : memref<64x128xf32, #tpu.memory_space<hbm>>) target(%dma_start3A_127 : memref<64x128xf32, #tpu.memory_space<vmem>>) target_semaphore(%arg8 : memref<!tpu.dma_semaphore, #tpu.memory_space<semaphore_mem>>)
    %sub3A_130 = arith.subi %squeeze3A_111, %multiple_of3A_116 : i32
    %add3A_131 = arith.constant 5 : i32
    %add3A_132 = arith.addi %add3A_131, %sub3A_10 : i32
    %broadcast_in_dim3A_133 = vector.broadcast %add3A_132 : i32 to vector<16xi32>
    %gather3A_134 = tpu.vector_load_idx %arg5[%broadcast_in_dim3A_133] : memref<16xi32, #tpu.memory_space<vmem>>[vector<16xi32>], vector<16xi32>,
    %slice3A_135 = vector.extract_strided_slice %gather3A_134 {offsets = [0], sizes = [1], strides = [1]} : vector<16xi32> to vector<1xi32>
    %squeeze3A_136 = vector.extract %slice3A_135[0] : i32 from vector<1xi32>
    %shift_right_arithmetic3A_137 = arith.constant 7 : i32
    %shift_right_arithmetic3A_138 = arith.shrsi %squeeze3A_136, %shift_right_arithmetic3A_137 : i32
    %shift_left3A_139 = arith.constant 7 : i32
    %shift_left3A_140 = arith.shli %shift_right_arithmetic3A_138, %shift_left3A_139 : i32
    %multiple_of3A_141 = tpu.assume_multiple %shift_left3A_140, 128 : i32
    %dma_start3A_142 = arith.constant 5 : i32
    %dma_start3A_143 = arith.constant 0 : i32
    %dma_start3A_144 = arith.constant 0 : i32
    %dma_start3A_145 = tpu.memref_slice %arg6[%dma_start3A_142, %dma_start3A_143, %dma_start3A_144] : memref<7x64x128xf32, #tpu.memory_space<vmem>> -> memref<1x64x128xf32, #tpu.memory_space<vmem>>
    %dma_start3A_146 = tpu.memref_squeeze %dma_start3A_145 : memref<1x64x128xf32, #tpu.memory_space<vmem>> -> memref<64x128xf32, #tpu.memory_space<vmem>>
    %dma_start3A_147 = arith.constant 0 : i32
    %dma_start3A_148 = tpu.memref_slice %arg2[%dma_start3A_147, %multiple_of3A_141] : memref<64x1000000xf32, #tpu.memory_space<hbm>> -> memref<64x128xf32, #tpu.memory_space<hbm>>
    %dma_start3A_149 = arith.constant 0 : i32
    %dma_start3A_150 = arith.constant 0 : i32
    %dma_start3A_151 = tpu.memref_slice %arg6[%dma_start3A_142, %dma_start3A_149, %dma_start3A_150] : memref<7x64x128xf32, #tpu.memory_space<vmem>> -> memref<1x64x128xf32, #tpu.memory_space<vmem>>
    %dma_start3A_152 = tpu.memref_squeeze %dma_start3A_151 : memref<1x64x128xf32, #tpu.memory_space<vmem>> -> memref<64x128xf32, #tpu.memory_space<vmem>>
    %dma_start3A_153 = arith.constant 0 : i32
    %dma_start3A_154 = tpu.memref_slice %arg2[%dma_start3A_153, %multiple_of3A_141] : memref<64x1000000xf32, #tpu.memory_space<hbm>> -> memref<64x128xf32, #tpu.memory_space<hbm>>
    tpu.enqueue_dma source(%dma_start3A_154 : memref<64x128xf32, #tpu.memory_space<hbm>>) target(%dma_start3A_152 : memref<64x128xf32, #tpu.memory_space<vmem>>) target_semaphore(%arg8 : memref<!tpu.dma_semaphore, #tpu.memory_space<semaphore_mem>>)
    %sub3A_155 = arith.subi %squeeze3A_136, %multiple_of3A_141 : i32
    %add3A_156 = arith.constant 6 : i32
    %add3A_157 = arith.addi %add3A_156, %sub3A_10 : i32
    %broadcast_in_dim3A_158 = vector.broadcast %add3A_157 : i32 to vector<16xi32>
    %gather3A_159 = tpu.vector_load_idx %arg5[%broadcast_in_dim3A_158] : memref<16xi32, #tpu.memory_space<vmem>>[vector<16xi32>], vector<16xi32>,
    %slice3A_160 = vector.extract_strided_slice %gather3A_159 {offsets = [0], sizes = [1], strides = [1]} : vector<16xi32> to vector<1xi32>
    %squeeze3A_161 = vector.extract %slice3A_160[0] : i32 from vector<1xi32>
    %shift_right_arithmetic3A_162 = arith.constant 7 : i32
    %shift_right_arithmetic3A_163 = arith.shrsi %squeeze3A_161, %shift_right_arithmetic3A_162 : i32
    %shift_left3A_164 = arith.constant 7 : i32
    %shift_left3A_165 = arith.shli %shift_right_arithmetic3A_163, %shift_left3A_164 : i32
    %multiple_of3A_166 = tpu.assume_multiple %shift_left3A_165, 128 : i32
    %convert_element_type3A = arith.extui %ge3A_1 : i1 to i32
    %cond3A = arith.constant 0 : i32
    %cond3A_167 = arith.cmpi ne, %convert_element_type3A, %cond3A : i32
    scf.if %cond3A_167 {
      %dma_start3A_379 = arith.constant 6 : i32
      %dma_start3A_380 = arith.constant 0 : i32
      %dma_start3A_381 = arith.constant 0 : i32
      %dma_start3A_382 = tpu.memref_slice %arg6[%dma_start3A_379, %dma_start3A_380, %dma_start3A_381] : memref<7x64x128xf32, #tpu.memory_space<vmem>> -> memref<1x64x128xf32, #tpu.memory_space<vmem>>
      %dma_start3A_383 = tpu.memref_squeeze %dma_start3A_382 : memref<1x64x128xf32, #tpu.memory_space<vmem>> -> memref<64x128xf32, #tpu.memory_space<vmem>>
      %dma_start3A_384 = arith.constant 0 : i32
      %dma_start3A_385 = tpu.memref_slice %arg2[%dma_start3A_384, %multiple_of3A_166] : memref<64x1000000xf32, #tpu.memory_space<hbm>> -> memref<64x128xf32, #tpu.memory_space<hbm>>
      %dma_start3A_386 = arith.constant 0 : i32
      %dma_start3A_387 = arith.constant 0 : i32
      %dma_start3A_388 = tpu.memref_slice %arg6[%dma_start3A_379, %dma_start3A_386, %dma_start3A_387] : memref<7x64x128xf32, #tpu.memory_space<vmem>> -> memref<1x64x128xf32, #tpu.memory_space<vmem>>
      %dma_start3A_389 = tpu.memref_squeeze %dma_start3A_388 : memref<1x64x128xf32, #tpu.memory_space<vmem>> -> memref<64x128xf32, #tpu.memory_space<vmem>>
      %dma_start3A_390 = arith.constant 0 : i32
      %dma_start3A_391 = tpu.memref_slice %arg2[%dma_start3A_390, %multiple_of3A_166] : memref<64x1000000xf32, #tpu.memory_space<hbm>> -> memref<64x128xf32, #tpu.memory_space<hbm>>
      tpu.enqueue_dma source(%dma_start3A_391 : memref<64x128xf32, #tpu.memory_space<hbm>>) target(%dma_start3A_389 : memref<64x128xf32, #tpu.memory_space<vmem>>) target_semaphore(%arg8 : memref<!tpu.dma_semaphore, #tpu.memory_space<semaphore_mem>>)
    } else {
    }
    %sub3A_168 = arith.subi %squeeze3A_161, %multiple_of3A_166 : i32
    %iota3A = tpu.iota {dimensions = array<i32: 0>} : vector<16xi32>
    %add3A_169 = arith.constant 0 : i32
    %add3A_170 = vector.broadcast %add3A_169 : i32 to vector<16xi32>
    %add3A_171 = arith.addi %iota3A, %add3A_170 : vector<16xi32>
    %iota3A_172 = tpu.iota {dimensions = array<i32: 0>} : vector<16xi32>
    %add3A_173 = arith.constant 16 : i32
    %add3A_174 = vector.broadcast %add3A_173 : i32 to vector<16xi32>
    %add3A_175 = arith.addi %iota3A_172, %add3A_174 : vector<16xi32>
    %iota3A_176 = tpu.iota {dimensions = array<i32: 0>} : vector<16xi32>
    %add3A_177 = arith.constant 32 : i32
    %add3A_178 = vector.broadcast %add3A_177 : i32 to vector<16xi32>
    %add3A_179 = arith.addi %iota3A_176, %add3A_178 : vector<16xi32>
    %iota3A_180 = tpu.iota {dimensions = array<i32: 0>} : vector<16xi32>
    %add3A_181 = arith.constant 48 : i32
    %add3A_182 = vector.broadcast %add3A_181 : i32 to vector<16xi32>
    %add3A_183 = arith.addi %iota3A_180, %add3A_182 : vector<16xi32>
    %broadcast_in_dim3A_184 = arith.constant 0.000000e+00 : f32
    %broadcast_in_dim3A_185 = vector.broadcast %broadcast_in_dim3A_184 : f32 to vector<16xf32>
    %broadcast_in_dim3A_186 = arith.constant 0.000000e+00 : f32
    %broadcast_in_dim3A_187 = vector.broadcast %broadcast_in_dim3A_186 : f32 to vector<16xf32>
    %broadcast_in_dim3A_188 = arith.constant 0.000000e+00 : f32
    %broadcast_in_dim3A_189 = vector.broadcast %broadcast_in_dim3A_188 : f32 to vector<16xf32>
    %broadcast_in_dim3A_190 = arith.constant 0.000000e+00 : f32
    %broadcast_in_dim3A_191 = vector.broadcast %broadcast_in_dim3A_190 : f32 to vector<16xf32>
    %dma_wait3A = arith.constant 0 : i32
    %dma_wait3A_192 = arith.constant 0 : i32
    %dma_wait3A_193 = arith.constant 0 : i32
    %dma_wait3A_194 = tpu.memref_slice %arg6[%dma_wait3A, %dma_wait3A_192, %dma_wait3A_193] : memref<7x64x128xf32, #tpu.memory_space<vmem>> -> memref<1x64x128xf32, #tpu.memory_space<vmem>>
    %dma_wait3A_195 = tpu.memref_squeeze %dma_wait3A_194 : memref<1x64x128xf32, #tpu.memory_space<vmem>> -> memref<64x128xf32, #tpu.memory_space<vmem>>
    %dma_wait3A_196 = arith.constant 0 : i32
    %dma_wait3A_197 = arith.constant 0 : i32
    %dma_wait3A_198 = tpu.memref_slice %arg2[%dma_wait3A_196, %dma_wait3A_197] : memref<64x1000000xf32, #tpu.memory_space<hbm>> -> memref<64x128xf32, #tpu.memory_space<hbm>>
    %dma_wait3A_199 = arith.constant 0 : i32
    %dma_wait3A_200 = arith.constant 0 : i32
    %dma_wait3A_201 = tpu.memref_slice %arg6[%dma_wait3A, %dma_wait3A_199, %dma_wait3A_200] : memref<7x64x128xf32, #tpu.memory_space<vmem>> -> memref<1x64x128xf32, #tpu.memory_space<vmem>>
    %dma_wait3A_202 = tpu.memref_squeeze %dma_wait3A_201 : memref<1x64x128xf32, #tpu.memory_space<vmem>> -> memref<64x128xf32, #tpu.memory_space<vmem>>
    %dma_wait3A_203 = arith.constant 0 : i32
    %dma_wait3A_204 = arith.constant 0 : i32
    %dma_wait3A_205 = tpu.memref_slice %arg2[%dma_wait3A_203, %dma_wait3A_204] : memref<64x1000000xf32, #tpu.memory_space<hbm>> -> memref<64x128xf32, #tpu.memory_space<hbm>>
    tpu.wait_dma2 semaphore(%arg8 : memref<!tpu.dma_semaphore, #tpu.memory_space<semaphore_mem>>) src(%dma_wait3A_205 : memref<64x128xf32, #tpu.memory_space<hbm>>) dst(%dma_wait3A_202 : memref<64x128xf32, #tpu.memory_space<vmem>>)
    %broadcast_in_dim3A_206 = vector.broadcast %sub3A_30 : i32 to vector<16xi32>
    %broadcast_in_dim3A_207 = arith.constant 0 : i32
    %broadcast_in_dim3A_208 = vector.broadcast %broadcast_in_dim3A_207 : i32 to vector<16xi32>
    %gather3A_209 = tpu.vector_load_idx %arg6[%broadcast_in_dim3A_208, %add3A_171, %broadcast_in_dim3A_206] : memref<7x64x128xf32, #tpu.memory_space<vmem>>[vector<16xi32>, vector<16xi32>, vector<16xi32>], vector<16xf32>,
    %add3A_210 = arith.addf %broadcast_in_dim3A_185, %gather3A_209 : vector<16xf32>
    %gather3A_211 = tpu.vector_load_idx %arg6[%broadcast_in_dim3A_208, %add3A_175, %broadcast_in_dim3A_206] : memref<7x64x128xf32, #tpu.memory_space<vmem>>[vector<16xi32>, vector<16xi32>, vector<16xi32>], vector<16xf32>,
    %add3A_212 = arith.addf %broadcast_in_dim3A_187, %gather3A_211 : vector<16xf32>
    %gather3A_213 = tpu.vector_load_idx %arg6[%broadcast_in_dim3A_208, %add3A_179, %broadcast_in_dim3A_206] : memref<7x64x128xf32, #tpu.memory_space<vmem>>[vector<16xi32>, vector<16xi32>, vector<16xi32>], vector<16xf32>,
    %add3A_214 = arith.addf %broadcast_in_dim3A_189, %gather3A_213 : vector<16xf32>
    %gather3A_215 = tpu.vector_load_idx %arg6[%broadcast_in_dim3A_208, %add3A_183, %broadcast_in_dim3A_206] : memref<7x64x128xf32, #tpu.memory_space<vmem>>[vector<16xi32>, vector<16xi32>, vector<16xi32>], vector<16xf32>,
    %add3A_216 = arith.addf %broadcast_in_dim3A_191, %gather3A_215 : vector<16xf32>
    %dma_wait3A_217 = arith.constant 1 : i32
    %dma_wait3A_218 = arith.constant 0 : i32
    %dma_wait3A_219 = arith.constant 0 : i32
    %dma_wait3A_220 = tpu.memref_slice %arg6[%dma_wait3A_217, %dma_wait3A_218, %dma_wait3A_219] : memref<7x64x128xf32, #tpu.memory_space<vmem>> -> memref<1x64x128xf32, #tpu.memory_space<vmem>>
    %dma_wait3A_221 = tpu.memref_squeeze %dma_wait3A_220 : memref<1x64x128xf32, #tpu.memory_space<vmem>> -> memref<64x128xf32, #tpu.memory_space<vmem>>
    %dma_wait3A_222 = arith.constant 0 : i32
    %dma_wait3A_223 = arith.constant 0 : i32
    %dma_wait3A_224 = tpu.memref_slice %arg2[%dma_wait3A_222, %dma_wait3A_223] : memref<64x1000000xf32, #tpu.memory_space<hbm>> -> memref<64x128xf32, #tpu.memory_space<hbm>>
    %dma_wait3A_225 = arith.constant 0 : i32
    %dma_wait3A_226 = arith.constant 0 : i32
    %dma_wait3A_227 = tpu.memref_slice %arg6[%dma_wait3A_217, %dma_wait3A_225, %dma_wait3A_226] : memref<7x64x128xf32, #tpu.memory_space<vmem>> -> memref<1x64x128xf32, #tpu.memory_space<vmem>>
    %dma_wait3A_228 = tpu.memref_squeeze %dma_wait3A_227 : memref<1x64x128xf32, #tpu.memory_space<vmem>> -> memref<64x128xf32, #tpu.memory_space<vmem>>
    %dma_wait3A_229 = arith.constant 0 : i32
    %dma_wait3A_230 = arith.constant 0 : i32
    %dma_wait3A_231 = tpu.memref_slice %arg2[%dma_wait3A_229, %dma_wait3A_230] : memref<64x1000000xf32, #tpu.memory_space<hbm>> -> memref<64x128xf32, #tpu.memory_space<hbm>>
    tpu.wait_dma2 semaphore(%arg8 : memref<!tpu.dma_semaphore, #tpu.memory_space<semaphore_mem>>) src(%dma_wait3A_231 : memref<64x128xf32, #tpu.memory_space<hbm>>) dst(%dma_wait3A_228 : memref<64x128xf32, #tpu.memory_space<vmem>>)
    %broadcast_in_dim3A_232 = vector.broadcast %sub3A_55 : i32 to vector<16xi32>
    %broadcast_in_dim3A_233 = arith.constant 1 : i32
    %broadcast_in_dim3A_234 = vector.broadcast %broadcast_in_dim3A_233 : i32 to vector<16xi32>
    %gather3A_235 = tpu.vector_load_idx %arg6[%broadcast_in_dim3A_234, %add3A_171, %broadcast_in_dim3A_232] : memref<7x64x128xf32, #tpu.memory_space<vmem>>[vector<16xi32>, vector<16xi32>, vector<16xi32>], vector<16xf32>,
    %add3A_236 = arith.addf %add3A_210, %gather3A_235 : vector<16xf32>
    %gather3A_237 = tpu.vector_load_idx %arg6[%broadcast_in_dim3A_234, %add3A_175, %broadcast_in_dim3A_232] : memref<7x64x128xf32, #tpu.memory_space<vmem>>[vector<16xi32>, vector<16xi32>, vector<16xi32>], vector<16xf32>,
    %add3A_238 = arith.addf %add3A_212, %gather3A_237 : vector<16xf32>
    %gather3A_239 = tpu.vector_load_idx %arg6[%broadcast_in_dim3A_234, %add3A_179, %broadcast_in_dim3A_232] : memref<7x64x128xf32, #tpu.memory_space<vmem>>[vector<16xi32>, vector<16xi32>, vector<16xi32>], vector<16xf32>,
    %add3A_240 = arith.addf %add3A_214, %gather3A_239 : vector<16xf32>
    %gather3A_241 = tpu.vector_load_idx %arg6[%broadcast_in_dim3A_234, %add3A_183, %broadcast_in_dim3A_232] : memref<7x64x128xf32, #tpu.memory_space<vmem>>[vector<16xi32>, vector<16xi32>, vector<16xi32>], vector<16xf32>,
    %add3A_242 = arith.addf %add3A_216, %gather3A_241 : vector<16xf32>
    %dma_wait3A_243 = arith.constant 2 : i32
    %dma_wait3A_244 = arith.constant 0 : i32
    %dma_wait3A_245 = arith.constant 0 : i32
    %dma_wait3A_246 = tpu.memref_slice %arg6[%dma_wait3A_243, %dma_wait3A_244, %dma_wait3A_245] : memref<7x64x128xf32, #tpu.memory_space<vmem>> -> memref<1x64x128xf32, #tpu.memory_space<vmem>>
    %dma_wait3A_247 = tpu.memref_squeeze %dma_wait3A_246 : memref<1x64x128xf32, #tpu.memory_space<vmem>> -> memref<64x128xf32, #tpu.memory_space<vmem>>
    %dma_wait3A_248 = arith.constant 0 : i32
    %dma_wait3A_249 = arith.constant 0 : i32
    %dma_wait3A_250 = tpu.memref_slice %arg2[%dma_wait3A_248, %dma_wait3A_249] : memref<64x1000000xf32, #tpu.memory_space<hbm>> -> memref<64x128xf32, #tpu.memory_space<hbm>>
    %dma_wait3A_251 = arith.constant 0 : i32
    %dma_wait3A_252 = arith.constant 0 : i32
    %dma_wait3A_253 = tpu.memref_slice %arg6[%dma_wait3A_243, %dma_wait3A_251, %dma_wait3A_252] : memref<7x64x128xf32, #tpu.memory_space<vmem>> -> memref<1x64x128xf32, #tpu.memory_space<vmem>>
    %dma_wait3A_254 = tpu.memref_squeeze %dma_wait3A_253 : memref<1x64x128xf32, #tpu.memory_space<vmem>> -> memref<64x128xf32, #tpu.memory_space<vmem>>
    %dma_wait3A_255 = arith.constant 0 : i32
    %dma_wait3A_256 = arith.constant 0 : i32
    %dma_wait3A_257 = tpu.memref_slice %arg2[%dma_wait3A_255, %dma_wait3A_256] : memref<64x1000000xf32, #tpu.memory_space<hbm>> -> memref<64x128xf32, #tpu.memory_space<hbm>>
    tpu.wait_dma2 semaphore(%arg8 : memref<!tpu.dma_semaphore, #tpu.memory_space<semaphore_mem>>) src(%dma_wait3A_257 : memref<64x128xf32, #tpu.memory_space<hbm>>) dst(%dma_wait3A_254 : memref<64x128xf32, #tpu.memory_space<vmem>>)
    %broadcast_in_dim3A_258 = vector.broadcast %sub3A_80 : i32 to vector<16xi32>
    %broadcast_in_dim3A_259 = arith.constant 2 : i32
    %broadcast_in_dim3A_260 = vector.broadcast %broadcast_in_dim3A_259 : i32 to vector<16xi32>
    %gather3A_261 = tpu.vector_load_idx %arg6[%broadcast_in_dim3A_260, %add3A_171, %broadcast_in_dim3A_258] : memref<7x64x128xf32, #tpu.memory_space<vmem>>[vector<16xi32>, vector<16xi32>, vector<16xi32>], vector<16xf32>,
    %add3A_262 = arith.addf %add3A_236, %gather3A_261 : vector<16xf32>
    %gather3A_263 = tpu.vector_load_idx %arg6[%broadcast_in_dim3A_260, %add3A_175, %broadcast_in_dim3A_258] : memref<7x64x128xf32, #tpu.memory_space<vmem>>[vector<16xi32>, vector<16xi32>, vector<16xi32>], vector<16xf32>,
    %add3A_264 = arith.addf %add3A_238, %gather3A_263 : vector<16xf32>
    %gather3A_265 = tpu.vector_load_idx %arg6[%broadcast_in_dim3A_260, %add3A_179, %broadcast_in_dim3A_258] : memref<7x64x128xf32, #tpu.memory_space<vmem>>[vector<16xi32>, vector<16xi32>, vector<16xi32>], vector<16xf32>,
    %add3A_266 = arith.addf %add3A_240, %gather3A_265 : vector<16xf32>
    %gather3A_267 = tpu.vector_load_idx %arg6[%broadcast_in_dim3A_260, %add3A_183, %broadcast_in_dim3A_258] : memref<7x64x128xf32, #tpu.memory_space<vmem>>[vector<16xi32>, vector<16xi32>, vector<16xi32>], vector<16xf32>,
    %add3A_268 = arith.addf %add3A_242, %gather3A_267 : vector<16xf32>
    %dma_wait3A_269 = arith.constant 3 : i32
    %dma_wait3A_270 = arith.constant 0 : i32
    %dma_wait3A_271 = arith.constant 0 : i32
    %dma_wait3A_272 = tpu.memref_slice %arg6[%dma_wait3A_269, %dma_wait3A_270, %dma_wait3A_271] : memref<7x64x128xf32, #tpu.memory_space<vmem>> -> memref<1x64x128xf32, #tpu.memory_space<vmem>>
    %dma_wait3A_273 = tpu.memref_squeeze %dma_wait3A_272 : memref<1x64x128xf32, #tpu.memory_space<vmem>> -> memref<64x128xf32, #tpu.memory_space<vmem>>
    %dma_wait3A_274 = arith.constant 0 : i32
    %dma_wait3A_275 = arith.constant 0 : i32
    %dma_wait3A_276 = tpu.memref_slice %arg2[%dma_wait3A_274, %dma_wait3A_275] : memref<64x1000000xf32, #tpu.memory_space<hbm>> -> memref<64x128xf32, #tpu.memory_space<hbm>>
    %dma_wait3A_277 = arith.constant 0 : i32
    %dma_wait3A_278 = arith.constant 0 : i32
    %dma_wait3A_279 = tpu.memref_slice %arg6[%dma_wait3A_269, %dma_wait3A_277, %dma_wait3A_278] : memref<7x64x128xf32, #tpu.memory_space<vmem>> -> memref<1x64x128xf32, #tpu.memory_space<vmem>>
    %dma_wait3A_280 = tpu.memref_squeeze %dma_wait3A_279 : memref<1x64x128xf32, #tpu.memory_space<vmem>> -> memref<64x128xf32, #tpu.memory_space<vmem>>
    %dma_wait3A_281 = arith.constant 0 : i32
    %dma_wait3A_282 = arith.constant 0 : i32
    %dma_wait3A_283 = tpu.memref_slice %arg2[%dma_wait3A_281, %dma_wait3A_282] : memref<64x1000000xf32, #tpu.memory_space<hbm>> -> memref<64x128xf32, #tpu.memory_space<hbm>>
    tpu.wait_dma2 semaphore(%arg8 : memref<!tpu.dma_semaphore, #tpu.memory_space<semaphore_mem>>) src(%dma_wait3A_283 : memref<64x128xf32, #tpu.memory_space<hbm>>) dst(%dma_wait3A_280 : memref<64x128xf32, #tpu.memory_space<vmem>>)
    %broadcast_in_dim3A_284 = vector.broadcast %sub3A_105 : i32 to vector<16xi32>
    %broadcast_in_dim3A_285 = arith.constant 3 : i32
    %broadcast_in_dim3A_286 = vector.broadcast %broadcast_in_dim3A_285 : i32 to vector<16xi32>
    %gather3A_287 = tpu.vector_load_idx %arg6[%broadcast_in_dim3A_286, %add3A_171, %broadcast_in_dim3A_284] : memref<7x64x128xf32, #tpu.memory_space<vmem>>[vector<16xi32>, vector<16xi32>, vector<16xi32>], vector<16xf32>,
    %add3A_288 = arith.addf %add3A_262, %gather3A_287 : vector<16xf32>
    %gather3A_289 = tpu.vector_load_idx %arg6[%broadcast_in_dim3A_286, %add3A_175, %broadcast_in_dim3A_284] : memref<7x64x128xf32, #tpu.memory_space<vmem>>[vector<16xi32>, vector<16xi32>, vector<16xi32>], vector<16xf32>,
    %add3A_290 = arith.addf %add3A_264, %gather3A_289 : vector<16xf32>
    %gather3A_291 = tpu.vector_load_idx %arg6[%broadcast_in_dim3A_286, %add3A_179, %broadcast_in_dim3A_284] : memref<7x64x128xf32, #tpu.memory_space<vmem>>[vector<16xi32>, vector<16xi32>, vector<16xi32>], vector<16xf32>,
    %add3A_292 = arith.addf %add3A_266, %gather3A_291 : vector<16xf32>
    %gather3A_293 = tpu.vector_load_idx %arg6[%broadcast_in_dim3A_286, %add3A_183, %broadcast_in_dim3A_284] : memref<7x64x128xf32, #tpu.memory_space<vmem>>[vector<16xi32>, vector<16xi32>, vector<16xi32>], vector<16xf32>,
    %add3A_294 = arith.addf %add3A_268, %gather3A_293 : vector<16xf32>
    %dma_wait3A_295 = arith.constant 4 : i32
    %dma_wait3A_296 = arith.constant 0 : i32
    %dma_wait3A_297 = arith.constant 0 : i32
    %dma_wait3A_298 = tpu.memref_slice %arg6[%dma_wait3A_295, %dma_wait3A_296, %dma_wait3A_297] : memref<7x64x128xf32, #tpu.memory_space<vmem>> -> memref<1x64x128xf32, #tpu.memory_space<vmem>>
    %dma_wait3A_299 = tpu.memref_squeeze %dma_wait3A_298 : memref<1x64x128xf32, #tpu.memory_space<vmem>> -> memref<64x128xf32, #tpu.memory_space<vmem>>
    %dma_wait3A_300 = arith.constant 0 : i32
    %dma_wait3A_301 = arith.constant 0 : i32
    %dma_wait3A_302 = tpu.memref_slice %arg2[%dma_wait3A_300, %dma_wait3A_301] : memref<64x1000000xf32, #tpu.memory_space<hbm>> -> memref<64x128xf32, #tpu.memory_space<hbm>>
    %dma_wait3A_303 = arith.constant 0 : i32
    %dma_wait3A_304 = arith.constant 0 : i32
    %dma_wait3A_305 = tpu.memref_slice %arg6[%dma_wait3A_295, %dma_wait3A_303, %dma_wait3A_304] : memref<7x64x128xf32, #tpu.memory_space<vmem>> -> memref<1x64x128xf32, #tpu.memory_space<vmem>>
    %dma_wait3A_306 = tpu.memref_squeeze %dma_wait3A_305 : memref<1x64x128xf32, #tpu.memory_space<vmem>> -> memref<64x128xf32, #tpu.memory_space<vmem>>
    %dma_wait3A_307 = arith.constant 0 : i32
    %dma_wait3A_308 = arith.constant 0 : i32
    %dma_wait3A_309 = tpu.memref_slice %arg2[%dma_wait3A_307, %dma_wait3A_308] : memref<64x1000000xf32, #tpu.memory_space<hbm>> -> memref<64x128xf32, #tpu.memory_space<hbm>>
    tpu.wait_dma2 semaphore(%arg8 : memref<!tpu.dma_semaphore, #tpu.memory_space<semaphore_mem>>) src(%dma_wait3A_309 : memref<64x128xf32, #tpu.memory_space<hbm>>) dst(%dma_wait3A_306 : memref<64x128xf32, #tpu.memory_space<vmem>>)
    %broadcast_in_dim3A_310 = vector.broadcast %sub3A_130 : i32 to vector<16xi32>
    %broadcast_in_dim3A_311 = arith.constant 4 : i32
    %broadcast_in_dim3A_312 = vector.broadcast %broadcast_in_dim3A_311 : i32 to vector<16xi32>
    %gather3A_313 = tpu.vector_load_idx %arg6[%broadcast_in_dim3A_312, %add3A_171, %broadcast_in_dim3A_310] : memref<7x64x128xf32, #tpu.memory_space<vmem>>[vector<16xi32>, vector<16xi32>, vector<16xi32>], vector<16xf32>,
    %add3A_314 = arith.addf %add3A_288, %gather3A_313 : vector<16xf32>
    %gather3A_315 = tpu.vector_load_idx %arg6[%broadcast_in_dim3A_312, %add3A_175, %broadcast_in_dim3A_310] : memref<7x64x128xf32, #tpu.memory_space<vmem>>[vector<16xi32>, vector<16xi32>, vector<16xi32>], vector<16xf32>,
    %add3A_316 = arith.addf %add3A_290, %gather3A_315 : vector<16xf32>
    %gather3A_317 = tpu.vector_load_idx %arg6[%broadcast_in_dim3A_312, %add3A_179, %broadcast_in_dim3A_310] : memref<7x64x128xf32, #tpu.memory_space<vmem>>[vector<16xi32>, vector<16xi32>, vector<16xi32>], vector<16xf32>,
    %add3A_318 = arith.addf %add3A_292, %gather3A_317 : vector<16xf32>
    %gather3A_319 = tpu.vector_load_idx %arg6[%broadcast_in_dim3A_312, %add3A_183, %broadcast_in_dim3A_310] : memref<7x64x128xf32, #tpu.memory_space<vmem>>[vector<16xi32>, vector<16xi32>, vector<16xi32>], vector<16xf32>,
    %add3A_320 = arith.addf %add3A_294, %gather3A_319 : vector<16xf32>
    %dma_wait3A_321 = arith.constant 5 : i32
    %dma_wait3A_322 = arith.constant 0 : i32
    %dma_wait3A_323 = arith.constant 0 : i32
    %dma_wait3A_324 = tpu.memref_slice %arg6[%dma_wait3A_321, %dma_wait3A_322, %dma_wait3A_323] : memref<7x64x128xf32, #tpu.memory_space<vmem>> -> memref<1x64x128xf32, #tpu.memory_space<vmem>>
    %dma_wait3A_325 = tpu.memref_squeeze %dma_wait3A_324 : memref<1x64x128xf32, #tpu.memory_space<vmem>> -> memref<64x128xf32, #tpu.memory_space<vmem>>
    %dma_wait3A_326 = arith.constant 0 : i32
    %dma_wait3A_327 = arith.constant 0 : i32
    %dma_wait3A_328 = tpu.memref_slice %arg2[%dma_wait3A_326, %dma_wait3A_327] : memref<64x1000000xf32, #tpu.memory_space<hbm>> -> memref<64x128xf32, #tpu.memory_space<hbm>>
    %dma_wait3A_329 = arith.constant 0 : i32
    %dma_wait3A_330 = arith.constant 0 : i32
    %dma_wait3A_331 = tpu.memref_slice %arg6[%dma_wait3A_321, %dma_wait3A_329, %dma_wait3A_330] : memref<7x64x128xf32, #tpu.memory_space<vmem>> -> memref<1x64x128xf32, #tpu.memory_space<vmem>>
    %dma_wait3A_332 = tpu.memref_squeeze %dma_wait3A_331 : memref<1x64x128xf32, #tpu.memory_space<vmem>> -> memref<64x128xf32, #tpu.memory_space<vmem>>
    %dma_wait3A_333 = arith.constant 0 : i32
    %dma_wait3A_334 = arith.constant 0 : i32
    %dma_wait3A_335 = tpu.memref_slice %arg2[%dma_wait3A_333, %dma_wait3A_334] : memref<64x1000000xf32, #tpu.memory_space<hbm>> -> memref<64x128xf32, #tpu.memory_space<hbm>>
    tpu.wait_dma2 semaphore(%arg8 : memref<!tpu.dma_semaphore, #tpu.memory_space<semaphore_mem>>) src(%dma_wait3A_335 : memref<64x128xf32, #tpu.memory_space<hbm>>) dst(%dma_wait3A_332 : memref<64x128xf32, #tpu.memory_space<vmem>>)
    %broadcast_in_dim3A_336 = vector.broadcast %sub3A_155 : i32 to vector<16xi32>
    %broadcast_in_dim3A_337 = arith.constant 5 : i32
    %broadcast_in_dim3A_338 = vector.broadcast %broadcast_in_dim3A_337 : i32 to vector<16xi32>
    %gather3A_339 = tpu.vector_load_idx %arg6[%broadcast_in_dim3A_338, %add3A_171, %broadcast_in_dim3A_336] : memref<7x64x128xf32, #tpu.memory_space<vmem>>[vector<16xi32>, vector<16xi32>, vector<16xi32>], vector<16xf32>,
    %add3A_340 = arith.addf %add3A_314, %gather3A_339 : vector<16xf32>
    %gather3A_341 = tpu.vector_load_idx %arg6[%broadcast_in_dim3A_338, %add3A_175, %broadcast_in_dim3A_336] : memref<7x64x128xf32, #tpu.memory_space<vmem>>[vector<16xi32>, vector<16xi32>, vector<16xi32>], vector<16xf32>,
    %add3A_342 = arith.addf %add3A_316, %gather3A_341 : vector<16xf32>
    %gather3A_343 = tpu.vector_load_idx %arg6[%broadcast_in_dim3A_338, %add3A_179, %broadcast_in_dim3A_336] : memref<7x64x128xf32, #tpu.memory_space<vmem>>[vector<16xi32>, vector<16xi32>, vector<16xi32>], vector<16xf32>,
    %add3A_344 = arith.addf %add3A_318, %gather3A_343 : vector<16xf32>
    %gather3A_345 = tpu.vector_load_idx %arg6[%broadcast_in_dim3A_338, %add3A_183, %broadcast_in_dim3A_336] : memref<7x64x128xf32, #tpu.memory_space<vmem>>[vector<16xi32>, vector<16xi32>, vector<16xi32>], vector<16xf32>,
    %add3A_346 = arith.addf %add3A_320, %gather3A_345 : vector<16xf32>
    %convert_element_type3A_347 = arith.extui %ge3A_1 : i1 to i32
    %cond3A_348 = arith.constant 0 : i32
    %cond3A_349 = arith.cmpi ne, %convert_element_type3A_347, %cond3A_348 : i32
    scf.if %cond3A_349 {
      %dma_wait3A_379 = arith.constant 6 : i32
      %dma_wait3A_380 = arith.constant 0 : i32
      %dma_wait3A_381 = arith.constant 0 : i32
      %dma_wait3A_382 = tpu.memref_slice %arg6[%dma_wait3A_379, %dma_wait3A_380, %dma_wait3A_381] : memref<7x64x128xf32, #tpu.memory_space<vmem>> -> memref<1x64x128xf32, #tpu.memory_space<vmem>>
      %dma_wait3A_383 = tpu.memref_squeeze %dma_wait3A_382 : memref<1x64x128xf32, #tpu.memory_space<vmem>> -> memref<64x128xf32, #tpu.memory_space<vmem>>
      %dma_wait3A_384 = arith.constant 0 : i32
      %dma_wait3A_385 = arith.constant 0 : i32
      %dma_wait3A_386 = tpu.memref_slice %arg2[%dma_wait3A_384, %dma_wait3A_385] : memref<64x1000000xf32, #tpu.memory_space<hbm>> -> memref<64x128xf32, #tpu.memory_space<hbm>>
      %dma_wait3A_387 = arith.constant 0 : i32
      %dma_wait3A_388 = arith.constant 0 : i32
      %dma_wait3A_389 = tpu.memref_slice %arg6[%dma_wait3A_379, %dma_wait3A_387, %dma_wait3A_388] : memref<7x64x128xf32, #tpu.memory_space<vmem>> -> memref<1x64x128xf32, #tpu.memory_space<vmem>>
      %dma_wait3A_390 = tpu.memref_squeeze %dma_wait3A_389 : memref<1x64x128xf32, #tpu.memory_space<vmem>> -> memref<64x128xf32, #tpu.memory_space<vmem>>
      %dma_wait3A_391 = arith.constant 0 : i32
      %dma_wait3A_392 = arith.constant 0 : i32
      %dma_wait3A_393 = tpu.memref_slice %arg2[%dma_wait3A_391, %dma_wait3A_392] : memref<64x1000000xf32, #tpu.memory_space<hbm>> -> memref<64x128xf32, #tpu.memory_space<hbm>>
      tpu.wait_dma2 semaphore(%arg8 : memref<!tpu.dma_semaphore, #tpu.memory_space<semaphore_mem>>) src(%dma_wait3A_393 : memref<64x128xf32, #tpu.memory_space<hbm>>) dst(%dma_wait3A_390 : memref<64x128xf32, #tpu.memory_space<vmem>>)
    } else {
    }
    %broadcast_in_dim3A_350 = vector.broadcast %sub3A_168 : i32 to vector<16xi32>
    %broadcast_in_dim3A_351 = arith.constant 6 : i32
    %broadcast_in_dim3A_352 = vector.broadcast %broadcast_in_dim3A_351 : i32 to vector<16xi32>
    %gather3A_353 = tpu.vector_load_idx %arg6[%broadcast_in_dim3A_352, %add3A_171, %broadcast_in_dim3A_350] : memref<7x64x128xf32, #tpu.memory_space<vmem>>[vector<16xi32>, vector<16xi32>, vector<16xi32>], vector<16xf32>,
    %broadcast_in_dim3A_354 = arith.constant 0.000000e+00 : f32
    %broadcast_in_dim3A_355 = vector.broadcast %broadcast_in_dim3A_354 : f32 to vector<16xf32>
    %select_n3A = arith.select %ge3A_1, %gather3A_353, %broadcast_in_dim3A_355 : vector<16xf32>
    %add3A_356 = arith.addf %add3A_340, %select_n3A : vector<16xf32>
    %gather3A_357 = tpu.vector_load_idx %arg6[%broadcast_in_dim3A_352, %add3A_175, %broadcast_in_dim3A_350] : memref<7x64x128xf32, #tpu.memory_space<vmem>>[vector<16xi32>, vector<16xi32>, vector<16xi32>], vector<16xf32>,
    %broadcast_in_dim3A_358 = arith.constant 0.000000e+00 : f32
    %broadcast_in_dim3A_359 = vector.broadcast %broadcast_in_dim3A_358 : f32 to vector<16xf32>
    %select_n3A_360 = arith.select %ge3A_1, %gather3A_357, %broadcast_in_dim3A_359 : vector<16xf32>
    %add3A_361 = arith.addf %add3A_342, %select_n3A_360 : vector<16xf32>
    %gather3A_362 = tpu.vector_load_idx %arg6[%broadcast_in_dim3A_352, %add3A_179, %broadcast_in_dim3A_350] : memref<7x64x128xf32, #tpu.memory_space<vmem>>[vector<16xi32>, vector<16xi32>, vector<16xi32>], vector<16xf32>,
    %broadcast_in_dim3A_363 = arith.constant 0.000000e+00 : f32
    %broadcast_in_dim3A_364 = vector.broadcast %broadcast_in_dim3A_363 : f32 to vector<16xf32>
    %select_n3A_365 = arith.select %ge3A_1, %gather3A_362, %broadcast_in_dim3A_364 : vector<16xf32>
    %add3A_366 = arith.addf %add3A_344, %select_n3A_365 : vector<16xf32>
    %gather3A_367 = tpu.vector_load_idx %arg6[%broadcast_in_dim3A_352, %add3A_183, %broadcast_in_dim3A_350] : memref<7x64x128xf32, #tpu.memory_space<vmem>>[vector<16xi32>, vector<16xi32>, vector<16xi32>], vector<16xf32>,
    %broadcast_in_dim3A_368 = arith.constant 0.000000e+00 : f32
    %broadcast_in_dim3A_369 = vector.broadcast %broadcast_in_dim3A_368 : f32 to vector<16xf32>
    %select_n3A_370 = arith.select %ge3A_1, %gather3A_367, %broadcast_in_dim3A_369 : vector<16xf32>
    %add3A_371 = arith.addf %add3A_346, %select_n3A_370 : vector<16xf32>
    %swap3A = arith.constant 0 : index
    %swap3A_372 = tpu.vector_load %arg7[%swap3A] {strides = array<i32>} : memref<64xf32, #tpu.memory_space<vmem>>, vector<16xf32>,
    tpu.vector_store %arg7[%swap3A], %add3A_356 {strides = array<i32>} : memref<64xf32, #tpu.memory_space<vmem>>, vector<16xf32>,
    %swap3A_373 = arith.constant 16 : index
    %swap3A_374 = tpu.vector_load %arg7[%swap3A_373] {strides = array<i32>} : memref<64xf32, #tpu.memory_space<vmem>>, vector<16xf32>,
    tpu.vector_store %arg7[%swap3A_373], %add3A_361 {strides = array<i32>} : memref<64xf32, #tpu.memory_space<vmem>>, vector<16xf32>,
    %swap3A_375 = arith.constant 32 : index
    %swap3A_376 = tpu.vector_load %arg7[%swap3A_375] {strides = array<i32>} : memref<64xf32, #tpu.memory_space<vmem>>, vector<16xf32>,
    tpu.vector_store %arg7[%swap3A_375], %add3A_366 {strides = array<i32>} : memref<64xf32, #tpu.memory_space<vmem>>, vector<16xf32>,
    %swap3A_377 = arith.constant 48 : index
    %swap3A_378 = tpu.vector_load %arg7[%swap3A_377] {strides = array<i32>} : memref<64xf32, #tpu.memory_space<vmem>>, vector<16xf32>,
    tpu.vector_store %arg7[%swap3A_377], %add3A_371 {strides = array<i32>} : memref<64xf32, #tpu.memory_space<vmem>>, vector<16xf32>,
    "tpu.region"() ({
      %run_scoped3A = tpu.sem_alloc : memref<!tpu.dma_semaphore, #tpu.memory_space<semaphore_mem>>
      %dma_start3A_379 = arith.constant 0 : i32
      %dma_start3A_380 = tpu.memref_slice %arg4[%add3A, %dma_start3A_379] : memref<32x64xf32, #tpu.memory_space<hbm>> -> memref<1x64xf32, #tpu.memory_space<hbm>>
      %dma_start3A_381 = tpu.memref_squeeze %dma_start3A_380 : memref<1x64xf32, #tpu.memory_space<hbm>> -> memref<64xf32, #tpu.memory_space<hbm>>
      %dma_start3A_382 = arith.constant 0 : i32
      %dma_start3A_383 = tpu.memref_slice %arg4[%add3A, %dma_start3A_382] : memref<32x64xf32, #tpu.memory_space<hbm>> -> memref<1x64xf32, #tpu.memory_space<hbm>>
      %dma_start3A_384 = tpu.memref_squeeze %dma_start3A_383 : memref<1x64xf32, #tpu.memory_space<hbm>> -> memref<64xf32, #tpu.memory_space<hbm>>
      tpu.enqueue_dma source(%arg7 : memref<64xf32, #tpu.memory_space<vmem>>) target(%dma_start3A_384 : memref<64xf32, #tpu.memory_space<hbm>>) target_semaphore(%run_scoped3A : memref<!tpu.dma_semaphore, #tpu.memory_space<semaphore_mem>>)
      %dma_wait3A_385 = arith.constant 0 : i32
      %dma_wait3A_386 = tpu.memref_slice %arg4[%add3A, %dma_wait3A_385] : memref<32x64xf32, #tpu.memory_space<hbm>> -> memref<1x64xf32, #tpu.memory_space<hbm>>
      %dma_wait3A_387 = tpu.memref_squeeze %dma_wait3A_386 : memref<1x64xf32, #tpu.memory_space<hbm>> -> memref<64xf32, #tpu.memory_space<hbm>>
      %dma_wait3A_388 = arith.constant 0 : i32
      %dma_wait3A_389 = tpu.memref_slice %arg4[%add3A, %dma_wait3A_388] : memref<32x64xf32, #tpu.memory_space<hbm>> -> memref<1x64xf32, #tpu.memory_space<hbm>>
      %dma_wait3A_390 = tpu.memref_squeeze %dma_wait3A_389 : memref<1x64xf32, #tpu.memory_space<hbm>> -> memref<64xf32, #tpu.memory_space<hbm>>
      tpu.wait_dma2 semaphore(%run_scoped3A : memref<!tpu.dma_semaphore, #tpu.memory_space<semaphore_mem>>) src(%arg7 : memref<64xf32, #tpu.memory_space<vmem>>) dst(%dma_wait3A_390 : memref<64xf32, #tpu.memory_space<hbm>>)
      tpu.yield
    }) : () -> ()
    return
  }
}

module attributes {stable_mosaic.version = 14 : i64} {
  func.func @_mlp_body(%arg0: memref<32x64xf32, #tpu.memory_space<vmem>>, %arg1: memref<128x64xf32, #tpu.memory_space<vmem>>, %arg2: memref<1x128xf32, #tpu.memory_space<vmem>>, %arg3: memref<128x128xf32, #tpu.memory_space<vmem>>, %arg4: memref<1x128xf32, #tpu.memory_space<vmem>>, %arg5: memref<1000x128xf32, #tpu.memory_space<vmem>>, %arg6: memref<1x1000xf32, #tpu.memory_space<vmem>>, %arg7: memref<1x1000xf32, #tpu.memory_space<vmem>>) attributes {dimension_semantics = [], scalar_prefetch = 0 : i64, scratch_operands = 0 : i64, tpu.core_type = #tpu.core_type<tc>} {
    %get3A = arith.constant 0 : index
    %get3A_0 = arith.constant 0 : index
    %get3A_1 = vector.load %arg0[%get3A, %get3A_0] : memref<32x64xf32, #tpu.memory_space<vmem>>, vector<32x64xf32>
    %reduce_sum3A = arith.constant dense<0.000000e+00> : vector<64xf32>
    %reduce_sum3A_2 = vector.multi_reduction <add>, %get3A_1, %reduce_sum3A [0] : vector<32x64xf32> to vector<64xf32>
    %broadcast_in_dim3A = vector.shape_cast %reduce_sum3A_2 : vector<64xf32> to vector<1x64xf32>
    %get3A_3 = arith.constant 0 : index
    %get3A_4 = arith.constant 0 : index
    %get3A_5 = vector.load %arg1[%get3A_3, %get3A_4] : memref<128x64xf32, #tpu.memory_space<vmem>>, vector<128x64xf32>
    %dot_general3A = arith.constant dense<0.000000e+00> : vector<1x128xf32>
    %dot_general3A_6 = tpu.matmul %broadcast_in_dim3A, %get3A_5, %dot_general3A {dimension_numbers = #tpu.dot_dimension_numbers<[1], [1], [0], [0], [0, 0, 1, 0], [], []>, transpose_lhs_hint = false} : vector<1x64xf32>, vector<128x64xf32>, vector<1x128xf32> -> vector<1x128xf32>
    %get3A_7 = arith.constant 0 : index
    %get3A_8 = arith.constant 0 : index
    %get3A_9 = vector.load %arg2[%get3A_7, %get3A_8] : memref<1x128xf32, #tpu.memory_space<vmem>>, vector<1x128xf32>
    %add3A = arith.addf %dot_general3A_6, %get3A_9 : vector<1x128xf32>
    %tanh3A = math.tanh %add3A : vector<1x128xf32>
    %get3A_10 = arith.constant 0 : index
    %get3A_11 = arith.constant 0 : index
    %get3A_12 = vector.load %arg3[%get3A_10, %get3A_11] : memref<128x128xf32, #tpu.memory_space<vmem>>, vector<128x128xf32>
    %dot_general3A_13 = arith.constant dense<0.000000e+00> : vector<1x128xf32>
    %dot_general3A_14 = tpu.matmul %tanh3A, %get3A_12, %dot_general3A_13 {dimension_numbers = #tpu.dot_dimension_numbers<[1], [1], [0], [0], [0, 0, 1, 0], [], []>, transpose_lhs_hint = false} : vector<1x128xf32>, vector<128x128xf32>, vector<1x128xf32> -> vector<1x128xf32>
    %get3A_15 = arith.constant 0 : index
    %get3A_16 = arith.constant 0 : index
    %get3A_17 = vector.load %arg4[%get3A_15, %get3A_16] : memref<1x128xf32, #tpu.memory_space<vmem>>, vector<1x128xf32>
    %add3A_18 = arith.addf %dot_general3A_14, %get3A_17 : vector<1x128xf32>
    %tanh3A_19 = math.tanh %add3A_18 : vector<1x128xf32>
    %get3A_20 = arith.constant 0 : index
    %get3A_21 = arith.constant 0 : index
    %get3A_22 = vector.load %arg5[%get3A_20, %get3A_21] : memref<1000x128xf32, #tpu.memory_space<vmem>>, vector<1000x128xf32>
    %dot_general3A_23 = arith.constant dense<0.000000e+00> : vector<1x1000xf32>
    %dot_general3A_24 = tpu.matmul %tanh3A_19, %get3A_22, %dot_general3A_23 {dimension_numbers = #tpu.dot_dimension_numbers<[1], [1], [0], [0], [0, 0, 1, 0], [], []>, transpose_lhs_hint = false} : vector<1x128xf32>, vector<1000x128xf32>, vector<1x1000xf32> -> vector<1x1000xf32>
    %get3A_25 = arith.constant 0 : index
    %get3A_26 = arith.constant 0 : index
    %get3A_27 = vector.load %arg6[%get3A_25, %get3A_26] : memref<1x1000xf32, #tpu.memory_space<vmem>>, vector<1x1000xf32>
    %add3A_28 = arith.addf %dot_general3A_24, %get3A_27 : vector<1x1000xf32>
    %swap3A = arith.constant 0 : index
    %swap3A_29 = arith.constant 0 : index
    %swap3A_30 = vector.load %arg7[%swap3A, %swap3A_29] : memref<1x1000xf32, #tpu.memory_space<vmem>>, vector<1x1000xf32>
    tpu.vector_store %arg7[%swap3A, %swap3A_29], %add3A_28 {strides = array<i32>} : memref<1x1000xf32, #tpu.memory_space<vmem>>, vector<1x1000xf32>,
    return
  }
}

</mosaic_0001>

<sc_bundles>
// kernel: kernel.4.cloned.1.call-start
scs
__scs_entry_jumppad:
0x0: {  	(pc) =	sbr.rel $0x88, $3  }
0x1: {  	(tag) =	ssettag $0x0;
	lr =	simm.s32 $0x1  }
0x2: {  	[smem:$0x3F99] =	sst lr;
	_ =	strace $0xD0000000  }
0x3: {  	_ = 	snop  }
0x4: {  	_ = 	snop  }
0x5: {  	_ = 	snop  }
0x6: {  	_ = 	snop  }
0x7: {  	_ = 	snop  }
__scs_overlays_trampoline_lowered:
0x8: {  	[smem:$0x3FA8] =	sst s0  }
0x9: {  	[smem:$0x3FA9] =	sst s1  }
0xa: {  	[smem:$0x3FAA] =	sst s2  }
0xb: {  	[smem:$0x3FAB] =	sst s3  }
0xc: {  	[smem:$0x3FAC] =	sst s4  }
0xd: {  	[smem:$0x3FAD] =	sst s5  }
0xe: {  	[smem:$0x3FAE] =	sst s6  }
0xf: {  	[smem:$0x3FAF] =	sst s7  }
0x10: {  	[smem:$0x3FB0] =	sst s8  }
0x11: {  	[smem:$0x3FB1] =	sst s9;
	s0 =	simm.s32 @!p0 $0x0  }
0x12: {  	s1 =	sld [smem:$0x3F97];
	s0 =	simm.s32 @p0 $0x1  }
0x13: {  	[smem:$0x3FB2] =	sst s0;
	s0 =	simm.s32 @!p1 $0x0  }
0x14: {  	s2 =	sld [smem:$0x3F96];
	s0 =	simm.s32 @p1 $0x1  }
0x15: {  	[smem:$0x3FB3] =	sst s0;
	s0 =	simm.s32 @!p2 $0x0  }
0x16: {  	s3 =	sld [smem:$0x3FDB];
	s0 =	simm.s32 @p2 $0x1  }
0x17: {  	s4 =	simm.s32 $0x1BF5;
	[smem:$0x3FB5] =	sst s0  }
0x18: {  	s0 =	sld [smem:$0x3F98];
	_ =	swait.ge [sflag:s4], $0x0  }
0x19: {  	s7 =	sld [smem:$0x3F99]  }
0x1a: {  	s8 =	sadd.s32 $0xFFFFE003, lr  }
0x1b: {  	s9 =	sadd.s32 $0xFFFFFEF7, lr;
	s5 =	simm.s32 $0xFFFFFFFF;
	p2 =	slt.u32 s8, $0xFFFFF086  }
0x1c: {  	p1 =	slt.u32 s9, $0xF7A;
	s5 =	simm.s32 @!p2 $0x0  }
0x1d: {  	s5 =	simm.s32 @p1 $0x1;
	p0 =	seq.s32 s7, s2  }
0x1e: {  	s7 =	smul.u32 @!p0 $0xF7A, s2;
	p2 =	seq.s32 @!p0 s5, $0x0  }
0x1f: {  	s9 =	smul.u32 $0xF7A, s1;
	s8 =	simm.s32 @!p0 $0x1BF5;
	p2 =	por !p2, p0  }
0x20: {  	[sflag:s8] =	ssyncset.s32 @!p0 $0xFFFFF086;
	s6 =	sadd.s32 @!p0 s3, s7;
	s7 =	simm.s32 @!p0 $0x108  }
0x21: {  	s3 =	sadd.s32 s3, s9;
	s6 =	sadd.s32 @!p0 $0x88, s6;
	s7 =	simm.s32 @p2 $0x1082  }
0x22: {  	[simem:s7], [sflag:s8] =	dma.local @!p0 [hbm:s6], $0xF7A  }
0x23: {  	s9 =	sor.u32 $0xD0000000, s2;
	s6 =	simm.s32 $0x108;
	_ =	swait.ge @!p0 [sflag:s8], $0x0  }
0x24: {  	s3 =	sadd.s32 $0x88, s3;
	s6 =	simm.s32 @!p1 $0x1082;
	[sflag:s4] =	ssyncset.s32 $0xFFFFF086  }
0x25: {  	[simem:s6], [sflag:s4] =	dma.local [hbm:s3], $0xF7A  }
0x26: {  	[smem:$0x3F99] =	sst s1;
	(tag) =	ssettag s2;
	_ =	strace s9  }
0x27: {  	s1 =	sld [smem:$0x3FA9]  }
0x28: {  	s2 =	sld [smem:$0x3FAA]  }
0x29: {  	s4 =	sld [smem:$0x3FAC]  }
0x2a: {  	p0 =	seq.s32 s5, $0x0;
	s5 =	sld [smem:$0x3FAD]  }
0x2b: {  	s6 =	sld [smem:$0x3FAE]  }
0x2c: {  	s7 =	sld [smem:$0x3FAF]  }
0x2d: {  	s3 =	simm.s32 $0x108;
	s8 =	sld [smem:$0x3FB0]  }
0x2e: {  	s3 =	simm.s32 @!p0 $0x1082;
	s9 =	sld [smem:$0x3FB1]  }
0x2f: {  	lr =	sadd.s32 s0, s3;
	s0 =	sld [smem:$0x3FA8]  }
0x30: {  	s3 =	sld [smem:$0x3FAB]  }
0x31: {  	[smem:$0x3FB4] =	sst s10  }
0x32: {  	s10 =	sld [smem:$0x3FB2];
	_ =	sdelay $0x3  }
0x33: {  	p0 =	seq.s32 s10, $0x1;
	s10 =	sld [smem:$0x3FB4];
	_ =	sdelay $0x3  }
0x34: {  	[smem:$0x3FB4] =	sst s10  }
0x35: {  	s10 =	sld [smem:$0x3FB3];
	_ =	sdelay $0x3  }
0x36: {  	p1 =	seq.s32 s10, $0x1;
	s10 =	sld [smem:$0x3FB4];
	_ =	sdelay $0x3  }
0x37: {  	[smem:$0x3FB4] =	sst s10  }
0x38: {  	s10 =	sld [smem:$0x3FB5]  }
0x39: {  	_ = 	snop;
	(pc) =	sbr.ind lr, $3  }
0x3a: {  	_ = 	snop  }
0x3b: {  	_ = 	snop  }
0x3c: {  	p2 =	seq.s32 s10, $0x1;
	s10 =	sld [smem:$0x3FB4]  }
0x3d: {  	_ =	shalt  }
0x3e: {  	_ =	shalt  }
0x3f: {  	_ =	shalt  }
0x40: {  	_ =	shalt  }
0x41: {  	_ =	shalt  }
0x42: {  	_ =	shalt  }
0x43: {  	_ =	shalt  }
0x44: {  	_ =	shalt  }
0x45: {  	_ =	shalt  }
0x46: {  	_ =	shalt  }
0x47: {  	_ =	shalt  }
0x48: {  	_ =	shalt  }
0x49: {  	_ =	shalt  }
0x4a: {  	_ =	shalt  }
0x4b: {  	_ =	shalt  }
0x4c: {  	_ =	shalt  }
0x4d: {  	_ =	shalt  }
0x4e: {  	_ =	shalt  }
0x4f: {  	_ =	shalt  }
0x50: {  	_ =	shalt  }
0x51: {  	_ =	shalt  }
0x52: {  	_ =	shalt  }
0x53: {  	_ =	shalt  }
0x54: {  	_ =	shalt  }
0x55: {  	_ =	shalt  }
0x56: {  	_ =	shalt  }
0x57: {  	_ =	shalt  }
0x58: {  	_ =	shalt  }
0x59: {  	_ =	shalt  }
0x5a: {  	_ =	shalt  }
0x5b: {  	_ =	shalt  }
0x5c: {  	_ =	shalt  }
0x5d: {  	_ =	shalt  }
0x5e: {  	_ =	shalt  }
0x5f: {  	_ =	shalt  }
0x60: {  	_ =	shalt  }
0x61: {  	_ =	shalt  }
0x62: {  	_ =	shalt  }
0x63: {  	_ =	shalt  }
0x64: {  	_ =	shalt  }
0x65: {  	_ =	shalt  }
0x66: {  	_ =	shalt  }
0x67: {  	_ =	shalt  }
0x68: {  	_ =	shalt  }
0x69: {  	_ =	shalt  }
0x6a: {  	_ =	shalt  }
0x6b: {  	_ =	shalt  }
0x6c: {  	_ =	shalt  }
0x6d: {  	_ =	shalt  }
0x6e: {  	_ =	shalt  }
0x6f: {  	_ =	shalt  }
0x70: {  	_ =	shalt  }
0x71: {  	_ =	shalt  }
0x72: {  	_ =	shalt  }
0x73: {  	_ =	shalt  }
0x74: {  	_ =	shalt  }
0x75: {  	_ =	shalt  }
0x76: {  	_ =	shalt  }
0x77: {  	_ =	shalt  }
0x78: {  	_ =	shalt  }
0x79: {  	_ =	shalt  }
0x7a: {  	_ =	shalt  }
0x7b: {  	_ =	shalt  }
0x7c: {  	_ =	shalt  }
0x7d: {  	_ =	shalt  }
0x7e: {  	_ =	shalt  }
0x7f: {  	_ =	shalt  }
0x80: {  	_ =	shalt  }
0x81: {  	_ =	shalt  }
0x82: {  	_ =	shalt  }
0x83: {  	_ =	shalt  }
0x84: {  	_ =	shalt  }
0x85: {  	_ =	shalt  }
0x86: {  	_ =	shalt  }
0x87: {  	_ =	shalt  }
.Lfunc_end0:
.L_simem_size_0:
called_computation_lowered:
.L_overlay_start_0:
0x88: {  	s2 =	sld [smem:$0x3FD9]  }
0x89: {  	s3 =	sld [smem:$0x3FFE];
	_ =	sdelay $0x1  }
0x8a: {  	s1 =	srdreg.scid  }
0x8b: {  	s0 =	sand.u32 $0x1, s1  }
0x8c: {  	s17 =	sshll.u32 s0, $0xA;
	s2 =	sadd.s32 s3, s2  }
0x8d: {  	s2 =	sadd.s32 s2, s17  }
0x8e: {  	[smem:$0x3FC0] =	sst s2  }
0x8f: {  	_ = 	snop  }
0x90: {  	s2 =	sld [smem:$0x3FC9]  }
0x91: {  	s18 =	sld [smem:$0x3FC8];
	(tm) =	ssettm $0x1  }
0x92: {  	s4 =	sld [smem:$0x3FFB];
	_ =	sdelay $0x3  }
0x93: {  	_ =	strace s4  }
0x94: {  	s4 =	sld [smem:$0x3FFC];
	_ =	sdelay $0x3  }
0x95: {  	_ =	strace s4  }
0x96: {  	s4 =	sld [smem:$0x3FFD];
	_ =	sdelay $0x3  }
0x97: {  	_ =	strace s4  }
0x98: {  	_ =	strace $0x8FFFFFFF  }
0x99: {  	s19 =	sld [smem:$0x3FDB];
	_ =	sdelay $0x1  }
0x9a: {  	s5 =	simm.s32 $_scs_section_size  }
0x9b: {  	s6 =	simm.s32 $_size__tile_overlayer_lowered;
	s7 =	simm.s32 $_tile_overlayer_lowered  }
0x9c: {  	s22 =	simm.s32 $0x1BFF;
	s21 =	sshll.u32 s7, $0x1;
	s4 =	sadd.s32 s5, s19  }
0x9d: {  	s8 =	simm.s32 $0x0;
	s20 =	sshll.u32 s6, $0x1;
	s6 =	sadd.s32 s21, s4  }
0x9e: {  	[timem:s8], [sflag:s22] =	dma.local [hbm:s6], s20  }
0x9f: {  	_ =	swait.ge [sflag:s22], s20  }
0xa0: {  	s5 =	ssub.s32 $0x0, s20;
	[sflag:s22] =	ssyncset.done $0x0  }
0xa1: {  	[sflag:s22] =	ssyncadd.s32 s5;
	_ =	sdelay $0x1  }
0xa2: {  	s23 =	simm.s32 $0x1B8B  }
0xa3: {  	_ =	swait.ge [sflag:s23], $0x1  }
0xa4: {  	[sflag:s23] =	ssyncset.done $0x0  }
0xa5: {  	s25 =	simm.s32 $0x1B8E;
	s24 =	sld [smem:$0x3FFE];
	[sflag:s23] =	ssyncadd.s32 $0xFFFFFFFF  }
0xa6: {  	s26 =	simm.s32 $execute0_lowered;
	[smem:$0x3FD2] =	sst s25  }
0xa7: {  	s6 =	sshll.u32 s26, $0x1;
	_ =	strace $0x80000046;
	[dreg:$0x1] =	wrdreg $0xFFFFFFFF  }
0xa8: {  	s28 =	simm.s32 $_size_execute0_lowered;
	s4 =	sadd.s32 s4, s6;
	[dreg:$0x0] =	wrdreg $0x0  }
0xa9: {  	s6 =	sshll.u32 s28, $0x1;
	[dreg:$0x2] =	wrdreg s4  }
0xaa: {  	[dreg:$0x3] =	wrdreg s6  }
0xab: {  	[dreg:$0x4] =	wrdreg $0xC0  }
0xac: {  	_ =	task [dreg:s8], $0x5FFFF  }
0xad: {  	[dreg:$0x1] =	wrdreg $0xFFFFFFFF  }
0xae: {  	[dreg:$0x0] =	wrdreg $0x60  }
0xaf: {  	[dreg:$0x2] =	wrdreg s18  }
0xb0: {  	[dreg:$0x3] =	wrdreg s2  }
0xb1: {  	[dreg:$0x4] =	wrdreg s24  }
0xb2: {  	[dreg:$0x5] =	wrdreg $0x9  }
0xb3: {  	_ =	task.clear_ibuf [dreg:s8], $0x6FFFF;
	_ =	strace $0x90000046  }
0xb4: {  	s29 =	simm.s32 $0x9;
	_ =	strace $0x80000048  }
0xb5: {  	_ =	swait.ge [sflag:s29], $0x1  }
0xb6: {  	[sflag:s29] =	ssyncadd.s32 $0xFFFFFFFF  }
0xb7: {  	_ =	strace $0x90000048  }
0xb8: {  	_ =	sfence  }
0xb9: {  	s30 =	sld [smem:$0x0];
	_ =	sdelay $0x2  }
0xba: {  	s31 =	sshll.u32 s1, $0xD;
	s1 =	sshrl.u32 s1, $0x2  }
0xbb: {  	s3 =	sand.u32 $0x4000, s31;
	s1 =	sadd.s32 s1, s30  }
0xbc: {  	s0 =	sor.u32 s3, s0;
	s1 =	sshll.u32 s1, $0x11  }
0xbd: {  	s0 =	sor.u32 s1, s0  }
0xbe: {  	s0 =	sadd.s32 $0x8F2B, s0  }
0xbf: {  	[sflag:s0] =	ssyncadd.remote.s32 $0x1  }
0xc0: {  	_ =	sfence.sel $0xFFFF  }
0xc1: {  	[dreg:$0x0] =	wrdreg $0xFFFFFFFF;
	(pc) =	sbr.abs _section_cstart, $3  }
0xc2: {  	[dreg:$0x1] =	wrdreg $0xFFFFFFFF  }
0xc3: {  	_ =	task.clear_ibuf [dreg:s8], $0x2FFFF;
	_ =	strace $0x9FFFFFFF  }
0xc4: {  	(tm) =	ssettm $0x7FFFFFFF  }
0xc5: {  	_ =	shalt  }
tec
execute0_lowered:
.L_overlay_start_1:
0x0: {  	(tag) =	ssettag $0x1  }
0x1: {  	s1 =	srdreg.scid;
	s0 =	stileid.u32  }
0x2: {  	s12 =	sand.u32 $0x1, s1;
	s22 =	sshll.u32 s0, $0x1  }
0x3: {  	s3 =	sor.u32 s12, s22  }
0x4: {  	s4 =	rddreg [dreg:$0x0];
	s1 =	smul.u32 $0x6, s3  }
0x5: {  	s7 =	rddreg [dreg:$0x2];
	s2 =	smax.u32 s3, $0x18;
	s3 =	sshll.u32 s3, $0x4  }
0x6: {  	s5 =	rddreg [dreg:$0x1];
	s3 =	sadd.s32 s3, s7;
	s1 =	sadd.s32 s1, s2  }
0x7: {  	s2 =	simm.s32 $0x0;
	s6 =	sadd.s32 $0xFFFFFFE8, s1;
	s1 =	rddreg [dreg:$0x3]  }
0x8: {  	s3 =	sadd.s32 $0x1200, s3;
	[smem:$0x7FF] =	sst s2  }
0x9: {  	s23 =	simm.s32 $0x2080;
	_ =	strace $0x80000047;
	[dreg:$0xa] =	wrdreg s3  }
0xa: {  	s24 =	simm.s32 $0x4080;
	[dreg:$0x5] =	wrdreg s23  }
0xb: {  	s25 =	simm.s32 $0x6080;
	[dreg:$0x6] =	wrdreg s24  }
0xc: {  	s26 =	simm.s32 $0x8080;
	s8 =	sand.u32 $0x1F8, s6;
	[dreg:$0x7] =	wrdreg s25  }
0xd: {  	s28 =	simm.s32 $0xA080;
	[dreg:$0x8] =	wrdreg s26;
	s8 =	smin.u32 s8, $0xB8  }
0xe: {  	s29 =	simm.s32 $0xE080;
	[dreg:$0x9] =	wrdreg s28;
	s9 =	sshrl.u32 s8, $0x3  }
0xf: {  	[dreg:$0xb] =	wrdreg s29;
	s5 =	sadd.s32 s5, s9  }
0x10: {  	s8 =	ssub.s32 s6, s8;
	[dreg:$0x4] =	wrdreg s5  }
0x11: {  	s3 =	simm.s32 $0x2;
	v0 =	vmov s8;
	s5 =	rddreg [dreg:$0x4]  }
0x12: {  	[tilespmem:s2], [sflag:$0x2] =	stream.linear.gather [hbm4b:s5+s2], $0x10, $0x38;
	[tilespmem:$0xE100] =	vst v63  }
0x13: {  	_ =	swait.ge [sflag:s3], $0x10  }
0x14: {  	[sflag:s3] =	ssyncset.done $0x0  }
0x15: {  	[sflag:s3] =	ssyncadd.s32 $0xFFFFFFF0  }
0x16: {  	v1 =	vld.idx.msk [tilespmem:v0+s2+$0x0], $0xffff;
	_ =	sdelay $0x4  }
0x17: {  	(v2sf) =	vpush v1, $0x0;
	_ =	sdelay $0xc  }
0x18: {  	s30 =	sadd.s32 $0x1, s8  }
0x19: {  	v1 =	vmov s30  }
0x1a: {  	s31 =	spop (v2sf)  }
0x1b: {  	s7 =	simm.s32 $0x7A1400;
	s10 =	sand.u32 $0xFFFFF80, s31  }
0x1c: {  	s6 =	simm.s32 $0x400;
	s5 =	simm.s32 $0x80;
	s10 =	sadd.s32 s4, s10  }
0x1d: {  	[tilespmem:s5], [sflag:$0x1] =	stream.strided.gather [hbm4b:s10+s6], $0x2000, s7, s6, $0x38;
	[tilespmem:$0xE100] =	vst v63  }
0x1e: {  	v2 =	vld.idx.msk [tilespmem:v1+s2+$0x0], $0xffff;
	_ =	sdelay $0x4  }
0x1f: {  	(v2sf) =	vpush v2, $0x0;
	_ =	sdelay $0xc  }
0x20: {  	s16 =	sadd.s32 $0x2, s8  }
0x21: {  	v2 =	vmov s16  }
0x22: {  	s18 =	spop (v2sf)  }
0x23: {  	s11 =	sand.u32 $0xFFFFF80, s18  }
0x24: {  	s17 =	rddreg [dreg:$0x5];
	s11 =	sadd.s32 s4, s11  }
0x25: {  	[tilespmem:s17], [sflag:$0x1] =	stream.strided.gather [hbm4b:s11+s6], $0x2000, s7, s6, $0x38;
	[tilespmem:$0xE100] =	vst v63  }
0x26: {  	v3 =	vld.idx.msk [tilespmem:v2+s2+$0x0], $0xffff;
	_ =	sdelay $0x4  }
0x27: {  	(v2sf) =	vpush v3, $0x0;
	_ =	sdelay $0xc  }
0x28: {  	s19 =	sadd.s32 $0x3, s8  }
0x29: {  	v3 =	vmov s19  }
0x2a: {  	s17 =	spop (v2sf)  }
0x2b: {  	s21 =	sand.u32 $0xFFFFF80, s17  }
0x2c: {  	s20 =	rddreg [dreg:$0x6];
	s11 =	sadd.s32 s4, s21  }
0x2d: {  	[tilespmem:s20], [sflag:$0x1] =	stream.strided.gather [hbm4b:s11+s6], $0x2000, s7, s6, $0x38;
	[tilespmem:$0xE100] =	vst v63  }
0x2e: {  	v4 =	vld.idx.msk [tilespmem:v3+s2+$0x0], $0xffff;
	_ =	sdelay $0x4  }
0x2f: {  	(v2sf) =	vpush v4, $0x0;
	_ =	sdelay $0xc  }
0x30: {  	s22 =	sadd.s32 $0x4, s8  }
0x31: {  	v4 =	vmov s22  }
0x32: {  	s16 =	spop (v2sf)  }
0x33: {  	s24 =	sand.u32 $0xFFFFF80, s16  }
0x34: {  	s23 =	rddreg [dreg:$0x7];
	s11 =	sadd.s32 s4, s24  }
0x35: {  	[tilespmem:s23], [sflag:$0x1] =	stream.strided.gather [hbm4b:s11+s6], $0x2000, s7, s6, $0x38;
	[tilespmem:$0xE100] =	vst v63  }
0x36: {  	v5 =	vld.idx.msk [tilespmem:v4+s2+$0x0], $0xffff;
	_ =	sdelay $0x4  }
0x37: {  	(v2sf) =	vpush v5, $0x0;
	_ =	sdelay $0xc  }
0x38: {  	s25 =	sadd.s32 $0x5, s8  }
0x39: {  	v5 =	vmov s25  }
0x3a: {  	s15 =	spop (v2sf)  }
0x3b: {  	s28 =	sand.u32 $0xFFFFF80, s15  }
0x3c: {  	s26 =	rddreg [dreg:$0x8];
	s11 =	sadd.s32 s4, s28  }
0x3d: {  	[tilespmem:s26], [sflag:$0x1] =	stream.strided.gather [hbm4b:s11+s6], $0x2000, s7, s6, $0x38;
	[tilespmem:$0xE100] =	vst v63  }
0x3e: {  	v6 =	vld.idx.msk [tilespmem:v5+s2+$0x0], $0xffff;
	_ =	sdelay $0x4  }
0x3f: {  	(v2sf) =	vpush v6, $0x0;
	_ =	sdelay $0xc  }
0x40: {  	s8 =	sadd.s32 $0x6, s8  }
0x41: {  	v6 =	vmov s8  }
0x42: {  	s14 =	spop (v2sf)  }
0x43: {  	s30 =	sand.u32 $0xFFFFF80, s14  }
0x44: {  	s29 =	rddreg [dreg:$0x9];
	s10 =	sadd.s32 s4, s30  }
0x45: {  	[tilespmem:s29], [sflag:$0x1] =	stream.strided.gather [hbm4b:s10+s6], $0x2000, s7, s6, $0x38;
	[tilespmem:$0xE100] =	vst v63  }
0x46: {  	v7 =	vld.idx.msk [tilespmem:v6+s2+$0x0], $0xffff;
	_ =	sdelay $0x4  }
0x47: {  	(v2sf) =	vpush v7, $0x0;
	_ =	sdelay $0xc  }
0x48: {  	v7 =	vlaneseq.u32  }
0x49: {  	p0 =	slt.u32 s0, $0xC;
	v7 =	vmul.u32 $0x80, v7  }
0x4a: {  	s9 =	simm.s32 @!p0 $0xC080;
	s19 =	sand.u32 $0x7F, s31;
	s13 =	spop (v2sf)  }
0x4b: {  	s11 =	simm.s32 @!p0 $0x7A1400;
	v8 =	vor.u32 $0x1800, v7;
	s10 =	sand.u32 @!p0 $0xFFFFF80, s13  }
0x4c: {  	s8 =	simm.s32 $0x1;
	v9 =	vor.u32 $0x1000, v7;
	v11 =	vor.u32 s19, v8;
	s20 =	sadd.s32 @!p0 s4, s10;
	s10 =	simm.s32 @!p0 $0x400  }
0x4d: {  	v12 =	vor.u32 s19, v9;
	[tilespmem:s9], [sflag:$0x1] =	stream.strided.gather @!p0 [hbm4b:s20+s10], $0x2000, s11, s10, $0x38;
	[tilespmem:$0xE100] =	vst v63  }
0x4e: {  	v10 =	vor.u32 $0x800, v7;
	v13 =	vor.u32 s19, v7;
	_ =	swait.ge [sflag:s8], $0x2000  }
0x4f: {  	v14 =	vor.u32 s19, v10;
	[sflag:s8] =	ssyncset.done $0x0  }
0x50: {  	[sflag:s8] =	ssyncadd.s32 $0xFFFFE000  }
0x51: {  	s18 =	sand.u32 $0x7F, s18;
	v35 =	vld.idx.msk [tilespmem:v11+s5+$0x0], $0xffff;
	v11 =	vor.u32 $0x2000, v7  }
0x52: {  	v36 =	vld.idx.msk [tilespmem:v12+s5+$0x0], $0xffff;
	v12 =	vor.u32 $0x2800, v7;
	v15 =	vor.u32 s18, v11  }
0x53: {  	v39 =	vld.idx.msk [tilespmem:v13+s5+$0x0], $0xffff;
	v13 =	vor.u32 $0x3800, v7;
	v16 =	vor.u32 s18, v12  }
0x54: {  	v38 =	vld.idx.msk [tilespmem:v14+s5+$0x0], $0xffff;
	v14 =	vor.u32 $0x3000, v7;
	_ =	swait.ge [sflag:s8], $0x2000;
	v17 =	vor.u32 s18, v13  }
0x55: {  	[sflag:s8] =	ssyncset.done $0x0;
	v18 =	vor.u32 s18, v14  }
0x56: {  	[sflag:s8] =	ssyncadd.s32 $0xFFFFE000  }
0x57: {  	s17 =	sand.u32 $0x7F, s17;
	v42 =	vld.idx.msk [tilespmem:v15+s5+$0x0], $0xffff;
	v15 =	vor.u32 $0x4000, v7  }
0x58: {  	v40 =	vld.idx.msk [tilespmem:v16+s5+$0x0], $0xffff;
	v16 =	vor.u32 $0x4800, v7;
	v19 =	vor.u32 s17, v15  }
0x59: {  	v37 =	vld.idx.msk [tilespmem:v17+s5+$0x0], $0xffff;
	v17 =	vor.u32 $0x5800, v7;
	v20 =	vor.u32 s17, v16  }
0x5a: {  	v41 =	vld.idx.msk [tilespmem:v18+s5+$0x0], $0xffff;
	v18 =	vor.u32 $0x5000, v7;
	_ =	swait.ge [sflag:s8], $0x2000;
	v21 =	vor.u32 s17, v17  }
0x5b: {  	[sflag:s8] =	ssyncset.done $0x0;
	v22 =	vor.u32 s17, v18  }
0x5c: {  	[sflag:s8] =	ssyncadd.s32 $0xFFFFE000  }
0x5d: {  	s16 =	sand.u32 $0x7F, s16;
	v45 =	vld.idx.msk [tilespmem:v19+s5+$0x0], $0xffff;
	v19 =	vor.u32 $0x6000, v7  }
0x5e: {  	v44 =	vld.idx.msk [tilespmem:v20+s5+$0x0], $0xffff;
	v20 =	vor.u32 $0x7000, v7;
	v23 =	vor.u32 s16, v19  }
0x5f: {  	v43 =	vld.idx.msk [tilespmem:v21+s5+$0x0], $0xffff;
	v21 =	vor.u32 $0x7800, v7;
	v24 =	vor.u32 s16, v20  }
0x60: {  	v46 =	vld.idx.msk [tilespmem:v22+s5+$0x0], $0xffff;
	v22 =	vor.u32 $0x6800, v7;
	_ =	swait.ge [sflag:s8], $0x2000;
	v25 =	vor.u32 s16, v21  }
0x61: {  	[sflag:s8] =	ssyncset.done $0x0;
	v26 =	vor.u32 s16, v22  }
0x62: {  	[sflag:s8] =	ssyncadd.s32 $0xFFFFE000  }
0x63: {  	s15 =	sand.u32 $0x7F, s15;
	v49 =	vld.idx.msk [tilespmem:v23+s5+$0x0], $0xffff;
	v23 =	vor.u32 $0x8000, v7  }
0x64: {  	v48 =	vld.idx.msk [tilespmem:v24+s5+$0x0], $0xffff;
	v24 =	vor.u32 $0x8800, v7;
	v27 =	vor.u32 s15, v23  }
0x65: {  	s12 =	ssub.s32 $0x2, s12;
	v47 =	vld.idx.msk [tilespmem:v25+s5+$0x0], $0xffff;
	v25 =	vor.u32 $0x9800, v7;
	v28 =	vor.u32 s15, v24  }
0x66: {  	s31 =	sshrl.u32 s12, $0x1;
	v50 =	vld.idx.msk [tilespmem:v26+s5+$0x0], $0xffff;
	v26 =	vor.u32 $0x9000, v7;
	_ =	swait.ge [sflag:s8], $0x2000;
	v29 =	vor.u32 s15, v25  }
0x67: {  	s12 =	ssub.s32 s12, s31;
	[sflag:s8] =	ssyncset.done $0x0;
	v30 =	vor.u32 s15, v26  }
0x68: {  	s12 =	smax.u32 s12, $0x1;
	[sflag:s8] =	ssyncadd.s32 $0xFFFFE000  }
0x69: {  	s12 =	sadd.s32 $0xFFFFFFFF, s12;
	s14 =	sand.u32 $0x7F, s14;
	v53 =	vld.idx.msk [tilespmem:v27+s5+$0x0], $0xffff;
	v27 =	vor.u32 $0xA000, v7  }
0x6a: {  	p2 =	sne.s32 s12, $0x0;
	v52 =	vld.idx.msk [tilespmem:v28+s5+$0x0], $0xffff;
	v55 =	vor.u32 s14, v27  }
.Ltmp0:
0x6b: {  	v51 =	vld.idx.msk [tilespmem:v29+s5+$0x0], $0xffff;
	(pc) =	sbr.rel @!p2 .LBB2_2-.Ltmp0, $4  }
0x6c: {  	v32 =	vor.u32 $0xA800, v7;
	v54 =	vld.idx.msk [tilespmem:v30+s5+$0x0], $0xffff;
	_ =	swait.ge [sflag:s8], $0x2000  }
0x6d: {  	v33 =	vor.u32 $0xB000, v7;
	v34 =	vor.u32 $0xB800, v7;
	v31 =	vor.u32 $0xC000, v7;
	[sflag:s8] =	ssyncset.done $0x0  }
0x6e: {  	v58 =	vor.u32 s14, v32;
	v57 =	vor.u32 s14, v34;
	v56 =	vor.u32 s14, v33;
	[sflag:s8] =	ssyncadd.s32 $0xFFFFE000  }
0x6f: {  	p1 =	sgt.u32 s0, $0xB;
	s17 =	sand.u32 $0x7F, s13;
	v30 =	vor.u32 $0xC800, v7;
	v29 =	vor.u32 $0xD000, v7;
	v28 =	vor.u32 $0xD800, v7;
	v55 =	vld.idx.msk [tilespmem:v55+s5+$0x0], $0xffff  }
.LBB2_1:
0x70: {  	_ =	sdelay $0x2  }
0x71: {  	v39 =	vadd.f32 $0.0e+00, v39  }
0x72: {  	v58 =	vld.idx.msk [tilespmem:v58+s5+$0x0], $0xffff;
	v59 =	vor.u32 s17, v31;
	v38 =	vadd.f32 $0.0e+00, v38  }
0x73: {  	v57 =	vld.idx.msk [tilespmem:v57+s5+$0x0], $0xffff;
	s13 =	simm.s32 @!p0 $0x1;
	v60 =	vor.u32 s17, v30;
	v36 =	vadd.f32 $0.0e+00, v36;
	v39 =	vadd.f32 v42, v39  }
0x74: {  	v56 =	vld.idx.msk [tilespmem:v56+s5+$0x0], $0xffff;
	v62 =	vor.u32 s17, v29;
	v35 =	vadd.f32 $0.0e+00, v35;
	_ =	swait.ge @!p0 [sflag:s13], $0x2000;
	v38 =	vadd.f32 v40, v38  }
0x75: {  	v63 =	vor.u32 s17, v28;
	[sflag:s13] =	ssyncset.done @!p0 $0x0;
	v36 =	vadd.f32 v41, v36;
	v39 =	vadd.f32 v45, v39  }
0x76: {  	v35 =	vadd.f32 v37, v35;
	[sflag:s13] =	ssyncadd.s32 @!p0 $0xFFFFE000;
	v45 =	vadd.f32 v44, v38  }
0x77: {  	v36 =	vadd.f32 v46, v36;
	v59 =	vld.idx.msk [tilespmem:v59+s5+$0x0], $0xffff;
	v39 =	vadd.f32 v49, v39  }
0x78: {  	v35 =	vadd.f32 v43, v35;
	v60 =	vld.idx.msk [tilespmem:v60+s5+$0x0], $0xffff;
	v37 =	vadd.f32 v50, v45  }
0x79: {  	v42 =	vld.idx.msk [tilespmem:v62+s5+$0x0], $0xffff;
	v36 =	vadd.f32 v48, v36;
	v39 =	vadd.f32 v53, v39  }
0x7a: {  	v40 =	vld.idx.msk [tilespmem:v63+s5+$0x0], $0xffff;
	v35 =	vadd.f32 v47, v35;
	v37 =	vadd.f32 v52, v37  }
0x7b: {  	v36 =	vadd.f32 v54, v36;
	v39 =	vadd.f32 v55, v39  }
0x7c: {  	v35 =	vadd.f32 v51, v35;
	v37 =	vadd.f32 v58, v37;
	v38 =	vpsel !p1, $0x0, v59  }
0x7d: {  	v36 =	vadd.f32 v56, v36;
	v61 =	vpsel !p1, $0x0, v60;
	v38 =	vadd.f32 v38, v39  }
0x7e: {  	v35 =	vadd.f32 v57, v35;
	v62 =	vpsel !p1, $0x0, v42;
	v37 =	vadd.f32 v61, v37  }
0x7f: {  	v63 =	vpsel !p1, $0x0, v40;
	v36 =	vadd.f32 v62, v36;
	[tilespmem:$0xE080] =	vst v38  }
0x80: {  	v35 =	vadd.f32 v63, v35;
	[tilespmem:$0xE090] =	vst v37  }
0x81: {  	s17 =	rddreg [dreg:$0xb];
	[tilespmem:$0xE0A0] =	vst v36  }
0x82: {  	s14 =	rddreg [dreg:$0xa];
	[tilespmem:$0xE0B0] =	vst v35  }
0x83: {  	[hbm4b:s14+s2] =	stream.linear.scatter [tilespmem:s17], [sflag:$0x2], $0x80, $0x38;
	[tilespmem:$0xE100] =	vst v63  }
0x84: {  	_ =	swait.ge [sflag:s3], $0x80  }
0x85: {  	[sflag:s3] =	ssyncset.done $0x0  }
0x86: {  	s18 =	rddreg [dreg:$0x4];
	[sflag:s3] =	ssyncadd.s32 $0xFFFFFF80  }
0x87: {  	[tilespmem:s2], [sflag:$0x2] =	stream.linear.gather [hbm4b:s18+s2], $0x10, $0x38;
	[tilespmem:$0xE100] =	vst v63  }
0x88: {  	_ =	swait.ge [sflag:s3], $0x10  }
0x89: {  	[sflag:s3] =	ssyncset.done $0x0  }
0x8a: {  	[sflag:s3] =	ssyncadd.s32 $0xFFFFFFF0  }
0x8b: {  	v36 =	vld.idx.msk [tilespmem:v0+s2+$0x0], $0xffff;
	_ =	sdelay $0x4  }
0x8c: {  	(v2sf) =	vpush v36, $0x0;
	_ =	sdelay $0xe  }
0x8d: {  	s19 =	spop (v2sf)  }
0x8e: {  	s20 =	sand.u32 $0xFFFFF80, s19  }
0x8f: {  	s14 =	sadd.s32 s4, s20  }
0x90: {  	[tilespmem:s5], [sflag:$0x1] =	stream.strided.gather [hbm4b:s14+s6], $0x2000, s7, s6, $0x38;
	[tilespmem:$0xE100] =	vst v63  }
0x91: {  	v37 =	vld.idx.msk [tilespmem:v1+s2+$0x0], $0xffff;
	_ =	sdelay $0x4  }
0x92: {  	(v2sf) =	vpush v37, $0x0;
	_ =	sdelay $0xe  }
0x93: {  	s21 =	spop (v2sf)  }
0x94: {  	s16 =	sand.u32 $0xFFFFF80, s21  }
0x95: {  	s15 =	rddreg [dreg:$0x5];
	s16 =	sadd.s32 s4, s16  }
0x96: {  	[tilespmem:s15], [sflag:$0x1] =	stream.strided.gather [hbm4b:s16+s6], $0x2000, s7, s6, $0x38;
	[tilespmem:$0xE100] =	vst v63  }
0x97: {  	v38 =	vld.idx.msk [tilespmem:v2+s2+$0x0], $0xffff;
	_ =	sdelay $0x4  }
0x98: {  	(v2sf) =	vpush v38, $0x0;
	_ =	sdelay $0xe  }
0x99: {  	s23 =	spop (v2sf)  }
0x9a: {  	s24 =	sand.u32 $0xFFFFF80, s23  }
0x9b: {  	s22 =	rddreg [dreg:$0x6];
	s17 =	sadd.s32 s4, s24  }
0x9c: {  	[tilespmem:s22], [sflag:$0x1] =	stream.strided.gather [hbm4b:s17+s6], $0x2000, s7, s6, $0x38;
	[tilespmem:$0xE100] =	vst v63  }
0x9d: {  	v39 =	vld.idx.msk [tilespmem:v3+s2+$0x0], $0xffff;
	_ =	sdelay $0x4  }
0x9e: {  	(v2sf) =	vpush v39, $0x0;
	_ =	sdelay $0xe  }
0x9f: {  	s26 =	spop (v2sf)  }
0xa0: {  	s18 =	sand.u32 $0xFFFFF80, s26  }
0xa1: {  	s25 =	rddreg [dreg:$0x7];
	s18 =	sadd.s32 s4, s18  }
0xa2: {  	[tilespmem:s25], [sflag:$0x1] =	stream.strided.gather [hbm4b:s18+s6], $0x2000, s7, s6, $0x38;
	[tilespmem:$0xE100] =	vst v63  }
0xa3: {  	v40 =	vld.idx.msk [tilespmem:v4+s2+$0x0], $0xffff;
	_ =	sdelay $0x4  }
0xa4: {  	(v2sf) =	vpush v40, $0x0;
	_ =	sdelay $0xe  }
0xa5: {  	s29 =	spop (v2sf)  }
0xa6: {  	s13 =	sand.u32 $0x7F, s19;
	s19 =	sand.u32 $0xFFFFF80, s29  }
0xa7: {  	s28 =	rddreg [dreg:$0x8];
	s19 =	sadd.s32 s4, s19  }
0xa8: {  	[tilespmem:s28], [sflag:$0x1] =	stream.strided.gather [hbm4b:s19+s6], $0x2000, s7, s6, $0x38;
	[tilespmem:$0xE100] =	vst v63  }
0xa9: {  	v41 =	vld.idx.msk [tilespmem:v5+s2+$0x0], $0xffff;
	_ =	sdelay $0x4  }
0xaa: {  	(v2sf) =	vpush v41, $0x0;
	_ =	sdelay $0xe  }
0xab: {  	s31 =	spop (v2sf)  }
0xac: {  	s20 =	sand.u32 $0xFFFFF80, s31  }
0xad: {  	s30 =	rddreg [dreg:$0x9];
	s20 =	sadd.s32 s4, s20  }
0xae: {  	[tilespmem:s30], [sflag:$0x1] =	stream.strided.gather [hbm4b:s20+s6], $0x2000, s7, s6, $0x38;
	[tilespmem:$0xE100] =	vst v63  }
0xaf: {  	v42 =	vld.idx.msk [tilespmem:v6+s2+$0x0], $0xffff;
	_ =	sdelay $0x4  }
0xb0: {  	(v2sf) =	vpush v42, $0x0;
	_ =	sdelay $0xe  }
0xb1: {  	s17 =	spop (v2sf)  }
0xb2: {  	s20 =	sand.u32 @!p0 $0xFFFFF80, s17  }
0xb3: {  	v43 =	vor.u32 s13, v8;
	s20 =	sadd.s32 @!p0 s4, s20  }
0xb4: {  	v44 =	vor.u32 s13, v9;
	[tilespmem:s9], [sflag:$0x1] =	stream.strided.gather @!p0 [hbm4b:s20+s10], $0x2000, s11, s10, $0x38;
	[tilespmem:$0xE100] =	vst v63  }
0xb5: {  	v45 =	vor.u32 s13, v7;
	_ =	swait.ge [sflag:s8], $0x2000  }
0xb6: {  	v46 =	vor.u32 s13, v10;
	[sflag:s8] =	ssyncset.done $0x0  }
0xb7: {  	[sflag:s8] =	ssyncadd.s32 $0xFFFFE000  }
0xb8: {  	s14 =	sand.u32 $0x7F, s21;
	v35 =	vld.idx.msk [tilespmem:v43+s5+$0x0], $0xffff  }
0xb9: {  	v47 =	vor.u32 s14, v11;
	v36 =	vld.idx.msk [tilespmem:v44+s5+$0x0], $0xffff  }
0xba: {  	v48 =	vor.u32 s14, v12;
	v39 =	vld.idx.msk [tilespmem:v45+s5+$0x0], $0xffff  }
0xbb: {  	v49 =	vor.u32 s14, v13;
	v38 =	vld.idx.msk [tilespmem:v46+s5+$0x0], $0xffff;
	_ =	swait.ge [sflag:s8], $0x2000  }
0xbc: {  	v50 =	vor.u32 s14, v14;
	[sflag:s8] =	ssyncset.done $0x0  }
0xbd: {  	[sflag:s8] =	ssyncadd.s32 $0xFFFFE000  }
0xbe: {  	s15 =	sand.u32 $0x7F, s23;
	v42 =	vld.idx.msk [tilespmem:v47+s5+$0x0], $0xffff  }
0xbf: {  	v51 =	vor.u32 s15, v15;
	v40 =	vld.idx.msk [tilespmem:v48+s5+$0x0], $0xffff  }
0xc0: {  	v52 =	vor.u32 s15, v16;
	v37 =	vld.idx.msk [tilespmem:v49+s5+$0x0], $0xffff  }
0xc1: {  	v53 =	vor.u32 s15, v17;
	v41 =	vld.idx.msk [tilespmem:v50+s5+$0x0], $0xffff;
	_ =	swait.ge [sflag:s8], $0x2000  }
0xc2: {  	v54 =	vor.u32 s15, v18;
	[sflag:s8] =	ssyncset.done $0x0  }
0xc3: {  	[sflag:s8] =	ssyncadd.s32 $0xFFFFE000  }
0xc4: {  	s16 =	sand.u32 $0x7F, s26;
	v45 =	vld.idx.msk [tilespmem:v51+s5+$0x0], $0xffff  }
0xc5: {  	v55 =	vor.u32 s16, v19;
	v44 =	vld.idx.msk [tilespmem:v52+s5+$0x0], $0xffff  }
0xc6: {  	v56 =	vor.u32 s16, v20;
	v43 =	vld.idx.msk [tilespmem:v53+s5+$0x0], $0xffff  }
0xc7: {  	v57 =	vor.u32 s16, v21;
	v46 =	vld.idx.msk [tilespmem:v54+s5+$0x0], $0xffff;
	_ =	swait.ge [sflag:s8], $0x2000  }
0xc8: {  	v58 =	vor.u32 s16, v22;
	[sflag:s8] =	ssyncset.done $0x0  }
0xc9: {  	[sflag:s8] =	ssyncadd.s32 $0xFFFFE000  }
0xca: {  	s18 =	sand.u32 $0x7F, s29;
	v49 =	vld.idx.msk [tilespmem:v55+s5+$0x0], $0xffff  }
0xcb: {  	v59 =	vor.u32 s18, v23;
	v48 =	vld.idx.msk [tilespmem:v56+s5+$0x0], $0xffff  }
0xcc: {  	v60 =	vor.u32 s18, v24;
	v47 =	vld.idx.msk [tilespmem:v57+s5+$0x0], $0xffff  }
0xcd: {  	v61 =	vor.u32 s18, v25;
	v50 =	vld.idx.msk [tilespmem:v58+s5+$0x0], $0xffff;
	_ =	swait.ge [sflag:s8], $0x2000  }
0xce: {  	v62 =	vor.u32 s18, v26;
	[sflag:s8] =	ssyncset.done $0x0  }
0xcf: {  	[sflag:s8] =	ssyncadd.s32 $0xFFFFE000  }
0xd0: {  	s12 =	sadd.s32 $0xFFFFFFFF, s12;
	s19 =	sand.u32 $0x7F, s31;
	v53 =	vld.idx.msk [tilespmem:v59+s5+$0x0], $0xffff  }
0xd1: {  	p2 =	sne.s32 s12, $0x0;
	v63 =	vor.u32 s19, v27;
	v52 =	vld.idx.msk [tilespmem:v60+s5+$0x0], $0xffff  }
.Ltmp1:
0xd2: {  	v51 =	vld.idx.msk [tilespmem:v61+s5+$0x0], $0xffff;
	(pc) =	sbr.rel @p2 .LBB2_1-.Ltmp1, $4  }
0xd3: {  	v54 =	vld.idx.msk [tilespmem:v62+s5+$0x0], $0xffff;
	_ =	swait.ge [sflag:s8], $0x2000  }
0xd4: {  	[sflag:s8] =	ssyncset.done $0x0  }
0xd5: {  	[sflag:s8] =	ssyncadd.s32 $0xFFFFE000  }
0xd6: {  	s17 =	sand.u32 $0x7F, s17;
	v58 =	vor.u32 s19, v32;
	v57 =	vor.u32 s19, v34;
	v56 =	vor.u32 s19, v33;
	v55 =	vld.idx.msk [tilespmem:v63+s5+$0x0], $0xffff  }
.LBB2_2:
0xd7: {  	_ =	sdelay $0x2  }
0xd8: {  	v1 =	vadd.f32 $0.0e+00, v39  }
0xd9: {  	v0 =	vld.idx.msk [tilespmem:v58+s5+$0x0], $0xffff;
	v3 =	vor.u32 s17, v31;
	v4 =	vadd.f32 $0.0e+00, v38  }
0xda: {  	v2 =	vld.idx.msk [tilespmem:v57+s5+$0x0], $0xffff;
	s4 =	simm.s32 @!p0 $0x1;
	v6 =	vor.u32 s17, v30;
	v7 =	vadd.f32 $0.0e+00, v36;
	v1 =	vadd.f32 v42, v1  }
0xdb: {  	v5 =	vld.idx.msk [tilespmem:v56+s5+$0x0], $0xffff;
	v8 =	vor.u32 s17, v29;
	v9 =	vadd.f32 $0.0e+00, v35;
	_ =	swait.ge @!p0 [sflag:s4], $0x2000;
	v4 =	vadd.f32 v40, v4  }
0xdc: {  	v10 =	vor.u32 s17, v28;
	[sflag:s4] =	ssyncset.done @!p0 $0x0;
	v7 =	vadd.f32 v41, v7;
	v1 =	vadd.f32 v45, v1  }
0xdd: {  	v9 =	vadd.f32 v37, v9;
	[sflag:s4] =	ssyncadd.s32 @!p0 $0xFFFFE000;
	v4 =	vadd.f32 v44, v4  }
0xde: {  	v7 =	vadd.f32 v46, v7;
	v3 =	vld.idx.msk [tilespmem:v3+s5+$0x0], $0xffff;
	v1 =	vadd.f32 v49, v1  }
0xdf: {  	v9 =	vadd.f32 v43, v9;
	v6 =	vld.idx.msk [tilespmem:v6+s5+$0x0], $0xffff;
	v4 =	vadd.f32 v50, v4  }
0xe0: {  	v8 =	vld.idx.msk [tilespmem:v8+s5+$0x0], $0xffff;
	v7 =	vadd.f32 v48, v7;
	v1 =	vadd.f32 v53, v1  }
0xe1: {  	v10 =	vld.idx.msk [tilespmem:v10+s5+$0x0], $0xffff;
	v9 =	vadd.f32 v47, v9;
	v4 =	vadd.f32 v52, v4  }
0xe2: {  	v7 =	vadd.f32 v54, v7;
	v1 =	vadd.f32 v55, v1  }
0xe3: {  	v9 =	vadd.f32 v51, v9;
	v0 =	vadd.f32 v0, v4;
	v3 =	vpsel !p1, $0x0, v3  }
0xe4: {  	v59 =	vadd.f32 v5, v7;
	v60 =	vpsel !p1, $0x0, v6;
	v1 =	vadd.f32 v3, v1  }
0xe5: {  	v2 =	vadd.f32 v2, v9;
	v61 =	vpsel !p1, $0x0, v8;
	v0 =	vadd.f32 v60, v0  }
0xe6: {  	v62 =	vpsel !p1, $0x0, v10;
	v3 =	vadd.f32 v61, v59;
	[tilespmem:$0xE080] =	vst v1  }
0xe7: {  	v63 =	vadd.f32 v62, v2;
	[tilespmem:$0xE090] =	vst v0  }
0xe8: {  	s30 =	rddreg [dreg:$0xb];
	[tilespmem:$0xE0A0] =	vst v3  }
0xe9: {  	s31 =	rddreg [dreg:$0xa];
	[tilespmem:$0xE0B0] =	vst v63  }
0xea: {  	[hbm4b:s31+s2] =	stream.linear.scatter [tilespmem:s30], [sflag:$0x2], $0x80, $0x38;
	[tilespmem:$0xE100] =	vst v63  }
0xeb: {  	_ =	swait.ge [sflag:s3], $0x80  }
0xec: {  	[sflag:s3] =	ssyncset.done $0x0  }
0xed: {  	[sflag:s3] =	ssyncadd.s32 $0xFFFFFF80  }
0xee: {  	_ =	sfence.sel $0x180000  }
0xef: {  	[bflag:$0x0] =	sbarrier.arrive $0xFFFF  }
0xf0: {  	p0 =	sne.s32 s0, $0x0;
	_ =	strace $0x90000047  }
0xf1: {  	s0 =	sadd.s32 @!p0 $0x100000, s1;
	[bflag:$0x2] =	sbarrier.arrive $0xFFFF  }
0xf2: {  	[sflag:s0] =	ssyncadd.tile.s32 @!p0 $0x1;
	_ =	shalt  }
.Lfunc_end2:
_tile_overlayer_lowered:
.L_overlay_start_2:
0xf3: {  	(tag) =	ssettag $0x2  }
0xf4: {  	s0 =	rddreg [dreg:$0x0];
	s2 =	stileid.u32  }
0xf5: {  	s1 =	rddreg [dreg:$0x1];
	p0 =	sne.s32 s2, $0x0  }
0xf6: {  	s3 =	rddreg [dreg:$0x2];
	[bflag:$0x3] =	sbarrier.arrive $0xFFFF;
	s2 =	simm.s32 @!p0 $0x1C02  }
0xf7: {  	[timem:s3], [sflag:s2] =	dma.local @!p0 [hbm:s0], s1  }
0xf8: {  	s0 =	simm.s32 @!p0 $0x2  }
0xf9: {  	_ =	swait.ge @!p0 [sflag:s0], s1  }
0xfa: {  	s1 =	ssub.s32 @!p0 $0x0, s1;
	[sflag:s0] =	ssyncset.done @!p0 $0x0  }
0xfb: {  	[sflag:s0] =	ssyncadd.s32 @!p0 s1  }
0xfc: {  	[bflag:$0x3] =	sbarrier.arrive $0xFFFF  }
0xfd: {  	_ =	shalt  }

</sc_bundles>
